<compile_context>
chip_gen: v7x
topology: tpu7x:2x2x1
jax: 0.10.2.dev20260603
libtpu: 0.0.44.dev20260713+nightly
codegen_flags: <defaults>
</compile_context>

<pallas_src>
import numpy as np
import jax
import jax.numpy as jnp
from jax import lax
from jax.experimental import pallas as pl
from jax.experimental.pallas import tpu as pltpu
from jax.experimental.pallas import tpu_sc as plsc

_KSIZE = 5
_DIM = 3
_RATIO = 0.5


def _make_offsets() -> np.ndarray:
    ks = (_KSIZE,) * _DIM
    ranges = [np.arange(k) - k // 2 for k in ks]
    grid = np.stack(np.meshgrid(*ranges, indexing="ij"), axis=-1).reshape(-1, _DIM)
    full = grid.shape[0]
    vol = max(1, int(round(full * _RATIO)))
    idx = np.round(np.linspace(0, full - 1, vol)).astype(np.int64)
    return grid[idx].astype(np.int32)


_OFF = _make_offsets()
_V = _OFF.shape[0]
_N = 50000
_NV = _N * _V
_KS = 96 * 100 * 100 * 100

_NP = 3_145_728
_NG = 23552
_GSTRIDE = 4352
_TS = _NG * _GSTRIDE
_NWRD = _NG * 128
_HALF_G = _NG // 2

_KOFF_ROW = (_OFF[:, 0] * 10000 + _OFF[:, 1] * 100 + _OFF[:, 2]).astype(
    np.int32).reshape(1, _V)
_CMOD = (np.arange(4 * _V, dtype=np.int32) % 4).reshape(1, 4 * _V)
_offpat = np.zeros((4 * _V,), dtype=np.int32)
_offpat[1::4] = _OFF[:, 0]
_offpat[2::4] = _OFF[:, 1]
_offpat[3::4] = _OFF[:, 2]
_OFFPAT = _offpat.reshape(1, 4 * _V)

_BN = 1000

_ZCH = 8192
_NOUT_B = 4
_WD = 2048
_CB_SZ = 2 * _WD + 16
_NWIN_B = _NP // 16 // _WD
_NWIN_D = _NP // 32 // _WD

_GB = 32
_CBLK = _GB * _GSTRIDE
_CGRID = _TS // _CBLK


def _expand_body(b_ref, x_ref, y_ref, z_ref, koff_ref, cm_ref, op_ref,
                 okt_ref, keys_ref):
    bb = b_ref[...]
    xx = x_ref[...]
    yy = y_ref[...]
    zz = z_ref[...]
    base = bb * 1000000 + xx * 10000 + yy * 100 + zz + 20202
    keys_ref[...] = base + koff_ref[0:1, :]
    cm = jnp.broadcast_to(cm_ref[0:1, :], (_BN, 4 * _V))
    val = jnp.where(cm == 0, bb,
                    jnp.where(cm == 1, xx,
                              jnp.where(cm == 2, yy, zz)))
    okt_ref[...] = val + op_ref[0:1, :]


_expand = pl.pallas_call(
    _expand_body,
    grid=(_N // _BN,),
    in_specs=[pl.BlockSpec((_BN, 1), lambda i: (i, 0))] * 4 + [
        pl.BlockSpec((8, _V), lambda i: (0, 0)),
        pl.BlockSpec((8, 4 * _V), lambda i: (0, 0)),
        pl.BlockSpec((8, 4 * _V), lambda i: (0, 0)),
    ],
    out_specs=[
        pl.BlockSpec((_BN, 4 * _V), lambda i: (i, 0)),
        pl.BlockSpec((_BN, _V), lambda i: (i, 0)),
    ],
    out_shape=[
        jax.ShapeDtypeStruct((_N, 4 * _V), jnp.int32),
        jax.ShapeDtypeStruct((_N, _V), jnp.int32),
    ],
    compiler_params=pltpu.CompilerParams(dimension_semantics=("arbitrary",)),
)


def _scatter_body(keys_hbm, pres_hbm, zbuf, kbuf, ib0, ib1, ib2, ib3,
                  valbuf, sems):
    idxbufs = (ib0, ib1, ib2, ib3)
    c = lax.axis_index("c")
    s = lax.axis_index("s")
    wid = c * 16 + s
    lanes = lax.broadcasted_iota(jnp.int32, (16,), 0)

    def fill_z(i, carry):
        zbuf[pl.ds(i * 16, 16)] = jnp.zeros((16,), jnp.int32)
        return carry

    lax.fori_loop(0, _ZCH // 16, fill_z, 0)

    def fill_v(i, carry):
        valbuf[0, pl.ds(i * 16, 16)] = jnp.ones((16,), jnp.int32)
        return carry

    lax.fori_loop(0, _WD // 16, fill_v, 0)

    per_tile = _TS // 32
    zbase = wid * per_tile

    def zero_step(j, carry):
        pltpu.sync_copy(zbuf, pres_hbm.at[pl.ds(zbase + j * _ZCH, _ZCH)])
        return carry

    lax.fori_loop(0, per_tile // _ZCH, zero_step, 0)

    plsc.subcore_barrier()

    kper = _NP // 16
    kbase = s * kper

    def window4(w4, carry):
        descs = []
        for j in range(_NOUT_B):
            w = w4 * _NOUT_B + j
            pltpu.sync_copy(keys_hbm.at[pl.ds(kbase + w * _WD, _WD)], kbuf)
            dg0 = ((s * _NWIN_B + w) * 8) % (_HALF_G - 8) + c * _HALF_G

            def lanegrp(i, carry2, j=j):
                k = kbuf[pl.ds(i * 16, 16)]
                g = k >> 12
                idx = g * _GSTRIDE + (k & 31) * 128 + ((k >> 5) & 127)
                hi = ((_HALF_G - 1 - g) >> 31) & 1
                own = hi ^ (1 - c)
                dump = ((dg0 + (i & 7)) * _GSTRIDE + 4096
                        + ((i >> 3) & 15) * 16 + lanes)
                idxbufs[j][0, pl.ds(i * 16, 16)] = (
                    own * idx + (1 - own) * dump)
                return carry2

            lax.fori_loop(0, _WD // 16, lanegrp, 0)
            descs.append(pltpu.async_copy(
                valbuf.at[0], pres_hbm.at[idxbufs[j].at[0]], sems.at[j]))
        for d in descs:
            d.wait()
        return carry

    lax.fori_loop(0, _NWIN_B // _NOUT_B, window4, 0)


def _build_scatter():
    return pl.kernel(
        _scatter_body,
        out_type=jax.ShapeDtypeStruct((_TS,), jnp.int32),
        mesh=plsc.VectorSubcoreMesh(
            core_axis_name="c", subcore_axis_name="s", num_cores=2,
            num_subcores=16),
        scratch_types=[
            pltpu.VMEM((_ZCH,), jnp.int32),
            pltpu.VMEM((_WD,), jnp.int32),
            pltpu.VMEM((1, _WD), jnp.int32),
            pltpu.VMEM((1, _WD), jnp.int32),
            pltpu.VMEM((1, _WD), jnp.int32),
            pltpu.VMEM((1, _WD), jnp.int32),
            pltpu.VMEM((1, _WD), jnp.int32),
            pltpu.SemaphoreType.DMA((_NOUT_B,)),
        ],
    )


def _cumsum_lanes(x):
    s = x
    for d in (1, 2, 4, 8, 16, 32, 64):
        s = s + jnp.concatenate(
            [jnp.zeros_like(s[:, :d]), s[:, :-d]], axis=1)
    return s


def _cumsum_rows(x):
    s = x
    for d in (1, 2, 4, 8, 16):
        s = s + jnp.concatenate([jnp.zeros_like(s[:d]), s[:-d]], axis=0)
    return s


def _pack_body(pres_ref, words_ref, sp_ref, carry_ref):
    i = pl.program_id(0)
    p2 = pres_ref[...].reshape(_GB * 34, 128)
    rowi = lax.broadcasted_iota(jnp.int32, (_GB * 34, 128), 0) % 34
    valid = rowi < 32
    pbi = jnp.where(valid & (p2 != 0), 1, 0)
    bit = jnp.where(valid, rowi, 0)
    words_ref[...] = (pbi << bit).reshape(_GB, 34, 128).sum(axis=1)
    cnt = pbi.reshape(_GB, 34, 128).sum(axis=1)

    lane_inc = _cumsum_lanes(cnt)
    lane_ex = lane_inc - cnt
    rowtot = lane_inc[:, 127:128]
    row_inc = _cumsum_rows(rowtot)
    row_ex = row_inc - rowtot

    c0 = jnp.where(i == 0, 0, carry_ref[0])
    sp_ref[...] = c0 + row_ex + lane_ex
    carry_ref[0] = c0 + jnp.sum(cnt)


_pack = pl.pallas_call(
    _pack_body,
    grid=(_CGRID,),
    in_specs=[pl.BlockSpec((_CBLK,), lambda i: (i,))],
    out_specs=[
        pl.BlockSpec((_GB, 128), lambda i: (i, 0)),
        pl.BlockSpec((_GB, 128), lambda i: (i, 0)),
    ],
    out_shape=[
        jax.ShapeDtypeStruct((_NG, 128), jnp.int32),
        jax.ShapeDtypeStruct((_NG, 128), jnp.int32),
    ],
    scratch_shapes=[pltpu.SMEM((1,), jnp.int32)],
    compiler_params=pltpu.CompilerParams(dimension_semantics=("arbitrary",)),
)


def _rank_body(keys_hbm, words_hbm, sp_hbm, ranks_hbm,
               kbuf, idxbuf, wbuf, sbuf, rbuf, sem):
    c = lax.axis_index("c")
    s = lax.axis_index("s")
    wid = s * 2 + c
    base = wid * (_NP // 32)

    def window(w, carry):
        off = base + w * _WD
        pltpu.sync_copy(keys_hbm.at[pl.ds(off, _WD)], kbuf)

        def mkidx(i, carry2):
            k = kbuf[pl.ds(i * 16, 16)]
            idxbuf[0, pl.ds(i * 16, 16)] = (k >> 12) * 128 + ((k >> 5) & 127)
            return carry2

        lax.fori_loop(0, _WD // 16, mkidx, 0)
        pltpu.async_copy(words_hbm.at[idxbuf.at[0]], wbuf, sem).wait()
        pltpu.async_copy(sp_hbm.at[idxbuf.at[0]], sbuf, sem).wait()

        def rank16(i, carry2):
            sl = pl.ds(i * 16, 16)
            k = kbuf[sl]
            x = wbuf[sl] & ((1 << (k & 31)) - 1)
            x = x - ((x >> 1) & 0x55555555)
            x = (x & 0x33333333) + ((x >> 2) & 0x33333333)
            x = (x + (x >> 4)) & 0x0F0F0F0F
            pc = (x * 0x01010101) >> 24
            rbuf[sl] = sbuf[sl] + pc
            return carry2

        lax.fori_loop(0, _WD // 16, rank16, 0)
        pltpu.sync_copy(rbuf, ranks_hbm.at[pl.ds(off, _WD)])
        return carry

    lax.fori_loop(0, _NWIN_D, window, 0)


def _build_rank():
    return pl.kernel(
        _rank_body,
        out_type=jax.ShapeDtypeStruct((_NP,), jnp.int32),
        mesh=plsc.VectorSubcoreMesh(
            core_axis_name="c", subcore_axis_name="s", num_cores=2,
            num_subcores=16),
        scratch_types=[
            pltpu.VMEM((_WD,), jnp.int32),
            pltpu.VMEM((1, _WD), jnp.int32),
            pltpu.VMEM((_WD,), jnp.int32),
            pltpu.VMEM((_WD,), jnp.int32),
            pltpu.VMEM((_WD,), jnp.int32),
            pltpu.SemaphoreType.DMA,
        ],
    )


def kernel(sparse_coords):
    sc = sparse_coords.astype(jnp.int32)
    b = sc[0].reshape(_N, 1)
    x = sc[1].reshape(_N, 1)
    y = sc[2].reshape(_N, 1)
    z = sc[3].reshape(_N, 1)

    koff_in = jnp.asarray(np.tile(_KOFF_ROW, (8, 1)))
    cm_in = jnp.asarray(np.tile(_CMOD, (8, 1)))
    op_in = jnp.asarray(np.tile(_OFFPAT, (8, 1)))
    okt, keys = _expand(b, x, y, z, koff_in, cm_in, op_in)

    npad = _NP - _NV
    dump_keys = _KS + (jnp.arange(npad, dtype=jnp.int32) % 8192) * 32
    keys_pad = jnp.concatenate([keys.reshape(_NV), dump_keys])

    pres = _build_scatter()(keys_pad)
    words, sp = _pack(pres)
    ranks = _build_rank()(keys_pad, words.reshape(_NWRD), sp.reshape(_NWRD))

    rows = jnp.arange(_NV, dtype=jnp.int32)
    kernel_map = jnp.stack([rows // _V, ranks[:_NV], rows % _V], axis=1)
    out_key_tensor = okt.reshape(_NV, 4)
    return (kernel_map, out_key_tensor, kernel_map)

# --- scband reference (transcript-rebuilt; emitter-appended) ---
"""Pipeline reference for scband-local-self-attention-base-36258113913321 (READ-ONLY COPY).

The authoritative reference and input builder live on the scoring server;
editing this copy changes nothing except your own understanding.
"""

import jax, jax.numpy as jnp
import numpy as np

KERNEL_SIZE = 5
DIMENSION = 3
SPARSE_RATIO = 0.5
NUM_VOXELS = 50000
GRID = 96


def _kernel_offsets():
    # KernelGenerator: full hypercube of offsets centered at origin, then a
    # deterministic sparse subsample of round(full_volume * sparse_ratio) offsets.
    ks = (KERNEL_SIZE,) * DIMENSION
    ranges = [np.arange(k) - k // 2 for k in ks]
    grid = np.stack(np.meshgrid(*ranges, indexing='ij'), axis=-1).reshape(-1, DIMENSION)
    full_volume = grid.shape[0]
    kernel_volume = max(1, int(round(full_volume * SPARSE_RATIO)))
    idx = np.round(np.linspace(0, full_volume - 1, kernel_volume)).astype(np.int64)
    return jnp.asarray(grid[idx], dtype=jnp.int64)


def setup_inputs(seed: int = 0) -> dict:
    key = jax.random.key(seed)
    sparse_coords = jax.random.randint(key, (4, NUM_VOXELS), 0, GRID).astype(jnp.int64)
    return {"sparse_coords": sparse_coords}


def reference(sparse_coords):
    offsets = _kernel_offsets()                     # [V, D]
    kernel_volume = offsets.shape[0]
    num_voxels = sparse_coords.shape[1]
    batch_ids = sparse_coords[0]                    # [N]
    coordinates = sparse_coords[1:].T               # [N, D]
    # expand every voxel coordinate by every kernel offset
    expanded = coordinates[:, None, :] + offsets[None, :, :]   # [N, V, D]
    expanded = expanded.reshape(-1, DIMENSION)                 # [N*V, D]
    batch_expanded = jnp.repeat(batch_ids, kernel_volume)      # [N*V]
    out_key_tensor = jnp.concatenate([batch_expanded[:, None], expanded], axis=1)  # [N*V, D+1]
    # unique over rows -> consistent output indices (sort-based)
    perm = jnp.lexsort(tuple(out_key_tensor[:, c] for c in range(out_key_tensor.shape[1] - 1, -1, -1)))
    sorted_rows = out_key_tensor[perm]
    flags = jnp.any(sorted_rows[1:] != sorted_rows[:-1], axis=1)
    group_ids = jnp.concatenate([jnp.zeros(1, dtype=perm.dtype),
                                 jnp.cumsum(flags).astype(perm.dtype)])
    inverse_indices = jnp.zeros(out_key_tensor.shape[0], dtype=perm.dtype).at[perm].set(group_ids)
    output_indices = inverse_indices.reshape(-1)
    input_indices = jnp.repeat(jnp.arange(num_voxels), kernel_volume)
    rel_pos_indices = jnp.tile(jnp.arange(kernel_volume), num_voxels)
    kernel_map = jnp.stack([input_indices, output_indices, rel_pos_indices], axis=1)
    # key_query_map_from_kernel_map is an identity clone
    key_query_map = kernel_map
    return (kernel_map, out_key_tensor, key_query_map)

if __name__ == "__main__":
    import jax
    _d = setup_inputs()
    print(jax.jit(kernel)(*tuple(_d.values())))

</pallas_src>

<mosaic_0001>
#map = affine_map<(d0, d1) -> (0)>
module attributes {stable_mosaic.version = 14 : i64} {
  func.func @_rank_body(%arg0: i32, %arg1: i32, %arg2: memref<3145728xi32, #tpu.memory_space<hbm>>, %arg3: memref<3014656xi32, #tpu.memory_space<hbm>>, %arg4: memref<3014656xi32, #tpu.memory_space<hbm>>, %arg5: memref<3145728xi32, #tpu.memory_space<hbm>>, %arg6: memref<2048xi32, #tpu.memory_space<vmem>>, %arg7: memref<1x2048xi32, #tpu.memory_space<vmem>>, %arg8: memref<2048xi32, #tpu.memory_space<vmem>>, %arg9: memref<2048xi32, #tpu.memory_space<vmem>>, %arg10: memref<2048xi32, #tpu.memory_space<vmem>>, %arg11: memref<!tpu.dma_semaphore, #tpu.memory_space<semaphore_mem>>) attributes {dimension_semantics = [#tpu.dimension_semantics<core_parallel>, #tpu.dimension_semantics<subcore_parallel>], iteration_bounds = array<i64: 2, 16>, scalar_prefetch = 0 : i64, scratch_operands = 6 : i64, tpu.core_type = #tpu.core_type<sc_vector_subcore>, window_params = [{transform_indices = #map}, {transform_indices = #map}, {transform_indices = #map}, {transform_indices = #map}]} {
    %mul3A = arith.constant 2 : i32
    %mul3A_0 = arith.muli %arg1, %mul3A : i32
    %add3A = arith.addi %mul3A_0, %arg0 : i32
    %mul3A_1 = arith.constant 98304 : i32
    %mul3A_2 = arith.muli %add3A, %mul3A_1 : i32
    %scan3A = arith.constant 0 : i32
    %scan3A_3 = arith.constant 0 : i32
    %scan3A_4 = arith.constant 48 : i32
    %scan3A_5 = arith.addi %scan3A_3, %scan3A_4 : i32
    %scan3A_6 = arith.constant 1 : i32
    scf.for %scan3A_8 = %scan3A_3 to %scan3A_5 step %scan3A_6  : i32 {
      %mul3A_9 = arith.constant 2048 : i32
      %mul3A_10 = arith.muli %scan3A_8, %mul3A_9 : i32
      %add3A_11 = arith.addi %mul3A_2, %mul3A_10 : i32
      "tpu.region"() ({
        %run_scoped3A = tpu.sem_alloc : memref<!tpu.dma_semaphore, #tpu.memory_space<semaphore_mem>>
        %dma_start3A_46 = tpu.memref_slice %arg2[%add3A_11] : memref<3145728xi32, #tpu.memory_space<hbm>> -> memref<2048xi32, #tpu.memory_space<hbm>>
        %dma_start3A_47 = tpu.memref_slice %arg2[%add3A_11] : memref<3145728xi32, #tpu.memory_space<hbm>> -> memref<2048xi32, #tpu.memory_space<hbm>>
        tpu.enqueue_dma source(%dma_start3A_47 : memref<2048xi32, #tpu.memory_space<hbm>>) target(%arg6 : memref<2048xi32, #tpu.memory_space<vmem>>) target_semaphore(%run_scoped3A : memref<!tpu.dma_semaphore, #tpu.memory_space<semaphore_mem>>)
        %dma_wait3A_48 = tpu.memref_slice %arg2[%add3A_11] : memref<3145728xi32, #tpu.memory_space<hbm>> -> memref<2048xi32, #tpu.memory_space<hbm>>
        %dma_wait3A_49 = tpu.memref_slice %arg2[%add3A_11] : memref<3145728xi32, #tpu.memory_space<hbm>> -> memref<2048xi32, #tpu.memory_space<hbm>>
        tpu.wait_dma2 semaphore(%run_scoped3A : memref<!tpu.dma_semaphore, #tpu.memory_space<semaphore_mem>>) src(%dma_wait3A_49 : memref<2048xi32, #tpu.memory_space<hbm>>) dst(%arg6 : memref<2048xi32, #tpu.memory_space<vmem>>)
        tpu.yield
      }) : () -> ()
      %scan3A_12 = arith.constant 0 : i32
      %scan3A_13 = arith.constant 0 : i32
      %scan3A_14 = arith.constant 128 : i32
      %scan3A_15 = arith.addi %scan3A_13, %scan3A_14 : i32
      %scan3A_16 = arith.constant 1 : i32
      scf.for %scan3A_46 = %scan3A_13 to %scan3A_15 step %scan3A_16  : i32 {
        %mul3A_47 = arith.constant 16 : i32
        %mul3A_48 = arith.muli %scan3A_46, %mul3A_47 : i32
        %get3A = arith.index_cast %mul3A_48 : i32 to index
        %get3A_49 = tpu.vector_load %arg6[%get3A] {strides = array<i32>} : memref<2048xi32, #tpu.memory_space<vmem>>, vector<16xi32>,
        %get3A_50 = vector.shape_cast %get3A_49 : vector<16xi32> to vector<16xi32>
        %shift_right_arithmetic3A = arith.constant 12 : i32
        %shift_right_arithmetic3A_51 = vector.broadcast %shift_right_arithmetic3A : i32 to vector<16xi32>
        %shift_right_arithmetic3A_52 = arith.shrsi %get3A_50, %shift_right_arithmetic3A_51 : vector<16xi32>
        %mul3A_53 = arith.constant 128 : i32
        %mul3A_54 = vector.broadcast %mul3A_53 : i32 to vector<16xi32>
        %mul3A_55 = arith.muli %shift_right_arithmetic3A_52, %mul3A_54 : vector<16xi32>
        %shift_right_arithmetic3A_56 = arith.constant 5 : i32
        %shift_right_arithmetic3A_57 = vector.broadcast %shift_right_arithmetic3A_56 : i32 to vector<16xi32>
        %shift_right_arithmetic3A_58 = arith.shrsi %get3A_50, %shift_right_arithmetic3A_57 : vector<16xi32>
        %and3A = arith.constant 127 : i32
        %and3A_59 = vector.broadcast %and3A : i32 to vector<16xi32>
        %and3A_60 = arith.andi %shift_right_arithmetic3A_58, %and3A_59 : vector<16xi32>
        %add3A_61 = arith.addi %mul3A_55, %and3A_60 : vector<16xi32>
        %mul3A_62 = arith.constant 16 : i32
        %mul3A_63 = arith.muli %scan3A_46, %mul3A_62 : i32
        %swap3A = arith.constant 0 : i32
        %swap3A_64 = arith.index_cast %swap3A : i32 to index
        %swap3A_65 = arith.index_cast %mul3A_63 : i32 to index
        %swap3A_66 = tpu.vector_load %arg7[%swap3A_64, %swap3A_65] {strides = array<i32>} : memref<1x2048xi32, #tpu.memory_space<vmem>>, vector<1x16xi32>,
        %swap3A_67 = vector.shape_cast %swap3A_66 : vector<1x16xi32> to vector<16xi32>
        %swap3A_68 = vector.shape_cast %add3A_61 : vector<16xi32> to vector<1x16xi32>
        tpu.vector_store %arg7[%swap3A_64, %swap3A_65], %swap3A_68 {strides = array<i32>} : memref<1x2048xi32, #tpu.memory_space<vmem>>, vector<1x16xi32>,
      }
      %scan3A_17 = arith.constant 128 : i32
      %dma_start3A = arith.constant 0 : i32
      %dma_start3A_18 = arith.constant 0 : i32
      %dma_start3A_19 = tpu.memref_slice %arg7[%dma_start3A, %dma_start3A_18] : memref<1x2048xi32, #tpu.memory_space<vmem>> -> memref<1x2048xi32, #tpu.memory_space<vmem>>
      %dma_start3A_20 = tpu.memref_squeeze %dma_start3A_19 : memref<1x2048xi32, #tpu.memory_space<vmem>> -> memref<2048xi32, #tpu.memory_space<vmem>>
      %dma_start3A_21 = arith.constant 0 : i32
      %dma_start3A_22 = tpu.memref_slice %arg3[%dma_start3A_21] : memref<3014656xi32, #tpu.memory_space<hbm>> -> memref<3014656xi32, #tpu.memory_space<hbm>>
      tpu.enqueue_indirect_dma source(%dma_start3A_22 : memref<3014656xi32, #tpu.memory_space<hbm>>) target(%arg8 : memref<2048xi32, #tpu.memory_space<vmem>>) offsets(%dma_start3A_20 : memref<2048xi32, #tpu.memory_space<vmem>>) semaphore(%arg11 : memref<!tpu.dma_semaphore, #tpu.memory_space<semaphore_mem>>)
      %dma_wait3A = arith.constant 0 : i32
      %dma_wait3A_23 = arith.constant 0 : i32
      %dma_wait3A_24 = tpu.memref_slice %arg7[%dma_wait3A, %dma_wait3A_23] : memref<1x2048xi32, #tpu.memory_space<vmem>> -> memref<1x2048xi32, #tpu.memory_space<vmem>>
      %dma_wait3A_25 = tpu.memref_squeeze %dma_wait3A_24 : memref<1x2048xi32, #tpu.memory_space<vmem>> -> memref<2048xi32, #tpu.memory_space<vmem>>
      %dma_wait3A_26 = arith.constant 0 : i32
      %dma_wait3A_27 = tpu.memref_slice %arg3[%dma_wait3A_26] : memref<3014656xi32, #tpu.memory_space<hbm>> -> memref<3014656xi32, #tpu.memory_space<hbm>>
      tpu.wait_indirect_dma semaphore(%arg11 : memref<!tpu.dma_semaphore, #tpu.memory_space<semaphore_mem>>) src(%dma_wait3A_27 : memref<3014656xi32, #tpu.memory_space<hbm>>) dst(%arg8 : memref<2048xi32, #tpu.memory_space<vmem>>)
      %dma_start3A_28 = arith.constant 0 : i32
      %dma_start3A_29 = arith.constant 0 : i32
      %dma_start3A_30 = tpu.memref_slice %arg7[%dma_start3A_28, %dma_start3A_29] : memref<1x2048xi32, #tpu.memory_space<vmem>> -> memref<1x2048xi32, #tpu.memory_space<vmem>>
      %dma_start3A_31 = tpu.memref_squeeze %dma_start3A_30 : memref<1x2048xi32, #tpu.memory_space<vmem>> -> memref<2048xi32, #tpu.memory_space<vmem>>
      %dma_start3A_32 = arith.constant 0 : i32
      %dma_start3A_33 = tpu.memref_slice %arg4[%dma_start3A_32] : memref<3014656xi32, #tpu.memory_space<hbm>> -> memref<3014656xi32, #tpu.memory_space<hbm>>
      tpu.enqueue_indirect_dma source(%dma_start3A_33 : memref<3014656xi32, #tpu.memory_space<hbm>>) target(%arg9 : memref<2048xi32, #tpu.memory_space<vmem>>) offsets(%dma_start3A_31 : memref<2048xi32, #tpu.memory_space<vmem>>) semaphore(%arg11 : memref<!tpu.dma_semaphore, #tpu.memory_space<semaphore_mem>>)
      %dma_wait3A_34 = arith.constant 0 : i32
      %dma_wait3A_35 = arith.constant 0 : i32
      %dma_wait3A_36 = tpu.memref_slice %arg7[%dma_wait3A_34, %dma_wait3A_35] : memref<1x2048xi32, #tpu.memory_space<vmem>> -> memref<1x2048xi32, #tpu.memory_space<vmem>>
      %dma_wait3A_37 = tpu.memref_squeeze %dma_wait3A_36 : memref<1x2048xi32, #tpu.memory_space<vmem>> -> memref<2048xi32, #tpu.memory_space<vmem>>
      %dma_wait3A_38 = arith.constant 0 : i32
      %dma_wait3A_39 = tpu.memref_slice %arg4[%dma_wait3A_38] : memref<3014656xi32, #tpu.memory_space<hbm>> -> memref<3014656xi32, #tpu.memory_space<hbm>>
      tpu.wait_indirect_dma semaphore(%arg11 : memref<!tpu.dma_semaphore, #tpu.memory_space<semaphore_mem>>) src(%dma_wait3A_39 : memref<3014656xi32, #tpu.memory_space<hbm>>) dst(%arg9 : memref<2048xi32, #tpu.memory_space<vmem>>)
      %scan3A_40 = arith.constant 0 : i32
      %scan3A_41 = arith.constant 0 : i32
      %scan3A_42 = arith.constant 128 : i32
      %scan3A_43 = arith.addi %scan3A_41, %scan3A_42 : i32
      %scan3A_44 = arith.constant 1 : i32
      scf.for %scan3A_46 = %scan3A_41 to %scan3A_43 step %scan3A_44  : i32 {
        %mul3A_47 = arith.constant 16 : i32
        %mul3A_48 = arith.muli %scan3A_46, %mul3A_47 : i32
        %get3A = arith.index_cast %mul3A_48 : i32 to index
        %get3A_49 = tpu.vector_load %arg6[%get3A] {strides = array<i32>} : memref<2048xi32, #tpu.memory_space<vmem>>, vector<16xi32>,
        %get3A_50 = vector.shape_cast %get3A_49 : vector<16xi32> to vector<16xi32>
        %get3A_51 = arith.index_cast %mul3A_48 : i32 to index
        %get3A_52 = tpu.vector_load %arg8[%get3A_51] {strides = array<i32>} : memref<2048xi32, #tpu.memory_space<vmem>>, vector<16xi32>,
        %get3A_53 = vector.shape_cast %get3A_52 : vector<16xi32> to vector<16xi32>
        %and3A = arith.constant 31 : i32
        %and3A_54 = vector.broadcast %and3A : i32 to vector<16xi32>
        %and3A_55 = arith.andi %get3A_50, %and3A_54 : vector<16xi32>
        %shift_left3A = arith.constant 1 : i32
        %shift_left3A_56 = vector.broadcast %shift_left3A : i32 to vector<16xi32>
        %shift_left3A_57 = arith.shli %shift_left3A_56, %and3A_55 : vector<16xi32>
        %sub3A = arith.constant 1 : i32
        %sub3A_58 = vector.broadcast %sub3A : i32 to vector<16xi32>
        %sub3A_59 = arith.subi %shift_left3A_57, %sub3A_58 : vector<16xi32>
        %and3A_60 = arith.andi %get3A_53, %sub3A_59 : vector<16xi32>
        %shift_right_arithmetic3A = arith.constant 1 : i32
        %shift_right_arithmetic3A_61 = vector.broadcast %shift_right_arithmetic3A : i32 to vector<16xi32>
        %shift_right_arithmetic3A_62 = arith.shrsi %and3A_60, %shift_right_arithmetic3A_61 : vector<16xi32>
        %and3A_63 = arith.constant 1431655765 : i32
        %and3A_64 = vector.broadcast %and3A_63 : i32 to vector<16xi32>
        %and3A_65 = arith.andi %shift_right_arithmetic3A_62, %and3A_64 : vector<16xi32>
        %sub3A_66 = arith.subi %and3A_60, %and3A_65 : vector<16xi32>
        %and3A_67 = arith.constant 858993459 : i32
        %and3A_68 = vector.broadcast %and3A_67 : i32 to vector<16xi32>
        %and3A_69 = arith.andi %sub3A_66, %and3A_68 : vector<16xi32>
        %shift_right_arithmetic3A_70 = arith.constant 2 : i32
        %shift_right_arithmetic3A_71 = vector.broadcast %shift_right_arithmetic3A_70 : i32 to vector<16xi32>
        %shift_right_arithmetic3A_72 = arith.shrsi %sub3A_66, %shift_right_arithmetic3A_71 : vector<16xi32>
        %and3A_73 = arith.constant 858993459 : i32
        %and3A_74 = vector.broadcast %and3A_73 : i32 to vector<16xi32>
        %and3A_75 = arith.andi %shift_right_arithmetic3A_72, %and3A_74 : vector<16xi32>
        %add3A_76 = arith.addi %and3A_69, %and3A_75 : vector<16xi32>
        %shift_right_arithmetic3A_77 = arith.constant 4 : i32
        %shift_right_arithmetic3A_78 = vector.broadcast %shift_right_arithmetic3A_77 : i32 to vector<16xi32>
        %shift_right_arithmetic3A_79 = arith.shrsi %add3A_76, %shift_right_arithmetic3A_78 : vector<16xi32>
        %add3A_80 = arith.addi %add3A_76, %shift_right_arithmetic3A_79 : vector<16xi32>
        %and3A_81 = arith.constant 252645135 : i32
        %and3A_82 = vector.broadcast %and3A_81 : i32 to vector<16xi32>
        %and3A_83 = arith.andi %add3A_80, %and3A_82 : vector<16xi32>
        %mul3A_84 = arith.constant 16843009 : i32
        %mul3A_85 = vector.broadcast %mul3A_84 : i32 to vector<16xi32>
        %mul3A_86 = arith.muli %and3A_83, %mul3A_85 : vector<16xi32>
        %shift_right_arithmetic3A_87 = arith.constant 24 : i32
        %shift_right_arithmetic3A_88 = vector.broadcast %shift_right_arithmetic3A_87 : i32 to vector<16xi32>
        %shift_right_arithmetic3A_89 = arith.shrsi %mul3A_86, %shift_right_arithmetic3A_88 : vector<16xi32>
        %get3A_90 = arith.index_cast %mul3A_48 : i32 to index
        %get3A_91 = tpu.vector_load %arg9[%get3A_90] {strides = array<i32>} : memref<2048xi32, #tpu.memory_space<vmem>>, vector<16xi32>,
        %get3A_92 = vector.shape_cast %get3A_91 : vector<16xi32> to vector<16xi32>
        %add3A_93 = arith.addi %get3A_92, %shift_right_arithmetic3A_89 : vector<16xi32>
        %swap3A = arith.index_cast %mul3A_48 : i32 to index
        %swap3A_94 = tpu.vector_load %arg10[%swap3A] {strides = array<i32>} : memref<2048xi32, #tpu.memory_space<vmem>>, vector<16xi32>,
        %swap3A_95 = vector.shape_cast %swap3A_94 : vector<16xi32> to vector<16xi32>
        %swap3A_96 = vector.shape_cast %add3A_93 : vector<16xi32> to vector<16xi32>
        tpu.vector_store %arg10[%swap3A], %swap3A_96 {strides = array<i32>} : memref<2048xi32, #tpu.memory_space<vmem>>, vector<16xi32>,
      }
      %scan3A_45 = arith.constant 128 : i32
      "tpu.region"() ({
        %run_scoped3A = tpu.sem_alloc : memref<!tpu.dma_semaphore, #tpu.memory_space<semaphore_mem>>
        %dma_start3A_46 = tpu.memref_slice %arg5[%add3A_11] : memref<3145728xi32, #tpu.memory_space<hbm>> -> memref<2048xi32, #tpu.memory_space<hbm>>
        %dma_start3A_47 = tpu.memref_slice %arg5[%add3A_11] : memref<3145728xi32, #tpu.memory_space<hbm>> -> memref<2048xi32, #tpu.memory_space<hbm>>
        tpu.enqueue_dma source(%arg10 : memref<2048xi32, #tpu.memory_space<vmem>>) target(%dma_start3A_47 : memref<2048xi32, #tpu.memory_space<hbm>>) target_semaphore(%run_scoped3A : memref<!tpu.dma_semaphore, #tpu.memory_space<semaphore_mem>>)
        %dma_wait3A_48 = tpu.memref_slice %arg5[%add3A_11] : memref<3145728xi32, #tpu.memory_space<hbm>> -> memref<2048xi32, #tpu.memory_space<hbm>>
        %dma_wait3A_49 = tpu.memref_slice %arg5[%add3A_11] : memref<3145728xi32, #tpu.memory_space<hbm>> -> memref<2048xi32, #tpu.memory_space<hbm>>
        tpu.wait_dma2 semaphore(%run_scoped3A : memref<!tpu.dma_semaphore, #tpu.memory_space<semaphore_mem>>) src(%arg10 : memref<2048xi32, #tpu.memory_space<vmem>>) dst(%dma_wait3A_49 : memref<2048xi32, #tpu.memory_space<hbm>>)
        tpu.yield
      }) : () -> ()
    }
    %scan3A_7 = arith.constant 48 : i32
    return
  }
}

#map = affine_map<(d0, d1) -> (0)>
module attributes {stable_mosaic.version = 14 : i64} {
  func.func @_scatter_body(%arg0: i32, %arg1: i32, %arg2: memref<3145728xi32, #tpu.memory_space<hbm>>, %arg3: memref<102498304xi32, #tpu.memory_space<hbm>>, %arg4: memref<8192xi32, #tpu.memory_space<vmem>>, %arg5: memref<2048xi32, #tpu.memory_space<vmem>>, %arg6: memref<1x2048xi32, #tpu.memory_space<vmem>>, %arg7: memref<1x2048xi32, #tpu.memory_space<vmem>>, %arg8: memref<1x2048xi32, #tpu.memory_space<vmem>>, %arg9: memref<1x2048xi32, #tpu.memory_space<vmem>>, %arg10: memref<1x2048xi32, #tpu.memory_space<vmem>>, %arg11: memref<4x!tpu.dma_semaphore, #tpu.memory_space<semaphore_mem>>) attributes {dimension_semantics = [#tpu.dimension_semantics<core_parallel>, #tpu.dimension_semantics<subcore_parallel>], iteration_bounds = array<i64: 2, 16>, scalar_prefetch = 0 : i64, scratch_operands = 8 : i64, tpu.core_type = #tpu.core_type<sc_vector_subcore>, window_params = [{transform_indices = #map}, {transform_indices = #map}]} {
    %mul3A = arith.constant 16 : i32
    %mul3A_0 = arith.muli %arg0, %mul3A : i32
    %add3A = arith.addi %mul3A_0, %arg1 : i32
    %iota3A = tpu.iota {dimensions = array<i32: 0>} : vector<16xi32>
    %scan3A = arith.constant 0 : i32
    %scan3A_1 = arith.constant 0 : i32
    %scan3A_2 = arith.constant 512 : i32
    %scan3A_3 = arith.addi %scan3A_1, %scan3A_2 : i32
    %scan3A_4 = arith.constant 1 : i32
    scf.for %scan3A_28 = %scan3A_1 to %scan3A_3 step %scan3A_4  : i32 {
      %broadcast_in_dim3A = arith.constant 0 : i32
      %broadcast_in_dim3A_29 = vector.broadcast %broadcast_in_dim3A : i32 to vector<16xi32>
      %mul3A_30 = arith.constant 16 : i32
      %mul3A_31 = arith.muli %scan3A_28, %mul3A_30 : i32
      %swap3A = arith.index_cast %mul3A_31 : i32 to index
      %swap3A_32 = tpu.vector_load %arg4[%swap3A] {strides = array<i32>} : memref<8192xi32, #tpu.memory_space<vmem>>, vector<16xi32>,
      %swap3A_33 = vector.shape_cast %swap3A_32 : vector<16xi32> to vector<16xi32>
      %swap3A_34 = vector.shape_cast %broadcast_in_dim3A_29 : vector<16xi32> to vector<16xi32>
      tpu.vector_store %arg4[%swap3A], %swap3A_34 {strides = array<i32>} : memref<8192xi32, #tpu.memory_space<vmem>>, vector<16xi32>,
    }
    %scan3A_5 = arith.constant 512 : i32
    %scan3A_6 = arith.constant 0 : i32
    %scan3A_7 = arith.constant 0 : i32
    %scan3A_8 = arith.constant 128 : i32
    %scan3A_9 = arith.addi %scan3A_7, %scan3A_8 : i32
    %scan3A_10 = arith.constant 1 : i32
    scf.for %scan3A_28 = %scan3A_7 to %scan3A_9 step %scan3A_10  : i32 {
      %broadcast_in_dim3A = arith.constant 1 : i32
      %broadcast_in_dim3A_29 = vector.broadcast %broadcast_in_dim3A : i32 to vector<16xi32>
      %mul3A_30 = arith.constant 16 : i32
      %mul3A_31 = arith.muli %scan3A_28, %mul3A_30 : i32
      %swap3A = arith.constant 0 : i32
      %swap3A_32 = arith.index_cast %swap3A : i32 to index
      %swap3A_33 = arith.index_cast %mul3A_31 : i32 to index
      %swap3A_34 = tpu.vector_load %arg10[%swap3A_32, %swap3A_33] {strides = array<i32>} : memref<1x2048xi32, #tpu.memory_space<vmem>>, vector<1x16xi32>,
      %swap3A_35 = vector.shape_cast %swap3A_34 : vector<1x16xi32> to vector<16xi32>
      %swap3A_36 = vector.shape_cast %broadcast_in_dim3A_29 : vector<16xi32> to vector<1x16xi32>
      tpu.vector_store %arg10[%swap3A_32, %swap3A_33], %swap3A_36 {strides = array<i32>} : memref<1x2048xi32, #tpu.memory_space<vmem>>, vector<1x16xi32>,
    }
    %scan3A_11 = arith.constant 128 : i32
    %mul3A_12 = arith.constant 3203072 : i32
    %mul3A_13 = arith.muli %add3A, %mul3A_12 : i32
    %scan3A_14 = arith.constant 0 : i32
    %scan3A_15 = arith.constant 0 : i32
    %scan3A_16 = arith.constant 391 : i32
    %scan3A_17 = arith.addi %scan3A_15, %scan3A_16 : i32
    %scan3A_18 = arith.constant 1 : i32
    scf.for %scan3A_28 = %scan3A_15 to %scan3A_17 step %scan3A_18  : i32 {
      %mul3A_29 = arith.constant 8192 : i32
      %mul3A_30 = arith.muli %scan3A_28, %mul3A_29 : i32
      %add3A_31 = arith.addi %mul3A_13, %mul3A_30 : i32
      "tpu.region"() ({
        %run_scoped3A = tpu.sem_alloc : memref<!tpu.dma_semaphore, #tpu.memory_space<semaphore_mem>>
        %dma_start3A = tpu.memref_slice %arg3[%add3A_31] : memref<102498304xi32, #tpu.memory_space<hbm>> -> memref<8192xi32, #tpu.memory_space<hbm>>
        %dma_start3A_32 = tpu.memref_slice %arg3[%add3A_31] : memref<102498304xi32, #tpu.memory_space<hbm>> -> memref<8192xi32, #tpu.memory_space<hbm>>
        tpu.enqueue_dma source(%arg4 : memref<8192xi32, #tpu.memory_space<vmem>>) target(%dma_start3A_32 : memref<8192xi32, #tpu.memory_space<hbm>>) target_semaphore(%run_scoped3A : memref<!tpu.dma_semaphore, #tpu.memory_space<semaphore_mem>>)
        %dma_wait3A = tpu.memref_slice %arg3[%add3A_31] : memref<102498304xi32, #tpu.memory_space<hbm>> -> memref<8192xi32, #tpu.memory_space<hbm>>
        %dma_wait3A_33 = tpu.memref_slice %arg3[%add3A_31] : memref<102498304xi32, #tpu.memory_space<hbm>> -> memref<8192xi32, #tpu.memory_space<hbm>>
        tpu.wait_dma2 semaphore(%run_scoped3A : memref<!tpu.dma_semaphore, #tpu.memory_space<semaphore_mem>>) src(%arg4 : memref<8192xi32, #tpu.memory_space<vmem>>) dst(%dma_wait3A_33 : memref<8192xi32, #tpu.memory_space<hbm>>)
        tpu.yield
      }) : () -> ()
    }
    %scan3A_19 = arith.constant 391 : i32
    %barrier3A = arith.constant 0 : index
    tpu.barrier barrier_id(%barrier3A)
    %mul3A_20 = arith.constant 196608 : i32
    %mul3A_21 = arith.muli %arg1, %mul3A_20 : i32
    %scan3A_22 = arith.constant 0 : i32
    %scan3A_23 = arith.constant 0 : i32
    %scan3A_24 = arith.constant 24 : i32
    %scan3A_25 = arith.addi %scan3A_23, %scan3A_24 : i32
    %scan3A_26 = arith.constant 1 : i32
    scf.for %scan3A_28 = %scan3A_23 to %scan3A_25 step %scan3A_26  : i32 {
      %mul3A_29 = arith.constant 4 : i32
      %mul3A_30 = arith.muli %scan3A_28, %mul3A_29 : i32
      %add3A_31 = arith.constant 0 : i32
      %add3A_32 = arith.addi %mul3A_30, %add3A_31 : i32
      %mul3A_33 = arith.constant 2048 : i32
      %mul3A_34 = arith.muli %add3A_32, %mul3A_33 : i32
      %add3A_35 = arith.addi %mul3A_21, %mul3A_34 : i32
      "tpu.region"() ({
        %run_scoped3A = tpu.sem_alloc : memref<!tpu.dma_semaphore, #tpu.memory_space<semaphore_mem>>
        %dma_start3A_272 = tpu.memref_slice %arg2[%add3A_35] : memref<3145728xi32, #tpu.memory_space<hbm>> -> memref<2048xi32, #tpu.memory_space<hbm>>
        %dma_start3A_273 = tpu.memref_slice %arg2[%add3A_35] : memref<3145728xi32, #tpu.memory_space<hbm>> -> memref<2048xi32, #tpu.memory_space<hbm>>
        tpu.enqueue_dma source(%dma_start3A_273 : memref<2048xi32, #tpu.memory_space<hbm>>) target(%arg5 : memref<2048xi32, #tpu.memory_space<vmem>>) target_semaphore(%run_scoped3A : memref<!tpu.dma_semaphore, #tpu.memory_space<semaphore_mem>>)
        %dma_wait3A_274 = tpu.memref_slice %arg2[%add3A_35] : memref<3145728xi32, #tpu.memory_space<hbm>> -> memref<2048xi32, #tpu.memory_space<hbm>>
        %dma_wait3A_275 = tpu.memref_slice %arg2[%add3A_35] : memref<3145728xi32, #tpu.memory_space<hbm>> -> memref<2048xi32, #tpu.memory_space<hbm>>
        tpu.wait_dma2 semaphore(%run_scoped3A : memref<!tpu.dma_semaphore, #tpu.memory_space<semaphore_mem>>) src(%dma_wait3A_275 : memref<2048xi32, #tpu.memory_space<hbm>>) dst(%arg5 : memref<2048xi32, #tpu.memory_space<vmem>>)
        tpu.yield
      }) : () -> ()
      %mul3A_36 = arith.constant 96 : i32
      %mul3A_37 = arith.muli %arg1, %mul3A_36 : i32
      %add3A_38 = arith.addi %mul3A_37, %add3A_32 : i32
      %mul3A_39 = arith.constant 8 : i32
      %mul3A_40 = arith.muli %add3A_38, %mul3A_39 : i32
      %jit3A = arith.constant 11768 : i32
      %eq3A = arith.constant 0 : i32
      %eq3A_41 = arith.cmpi eq, %jit3A, %eq3A : i32
      %jit3A_42 = arith.constant 1 : i32
      %select_n3A = arith.select %eq3A_41, %jit3A_42, %jit3A : i32
      %rem3A = arith.remsi %mul3A_40, %select_n3A : i32
      %ne3A = arith.constant 0 : i32
      %ne3A_43 = arith.cmpi ne, %rem3A, %ne3A : i32
      %lt3A = arith.constant 0 : i32
      %lt3A_44 = arith.cmpi slt, %rem3A, %lt3A : i32
      %lt3A_45 = arith.constant 0 : i32
      %lt3A_46 = arith.cmpi slt, %select_n3A, %lt3A_45 : i32
      %ne3A_47 = arith.xori %lt3A_44, %lt3A_46 : i1
      %and3A = arith.andi %ne3A_47, %ne3A_43 : i1
      %add3A_48 = arith.addi %rem3A, %select_n3A : i32
      %select_n3A_49 = arith.select %and3A, %add3A_48, %rem3A : i32
      %mul3A_50 = arith.constant 11776 : i32
      %mul3A_51 = arith.muli %arg0, %mul3A_50 : i32
      %add3A_52 = arith.addi %select_n3A_49, %mul3A_51 : i32
      %scan3A_53 = arith.constant 0 : i32
      %scan3A_54 = arith.constant 0 : i32
      %scan3A_55 = arith.constant 128 : i32
      %scan3A_56 = arith.addi %scan3A_54, %scan3A_55 : i32
      %scan3A_57 = arith.constant 1 : i32
      scf.for %scan3A_272 = %scan3A_54 to %scan3A_56 step %scan3A_57  : i32 {
        %mul3A_273 = arith.constant 16 : i32
        %mul3A_274 = arith.muli %scan3A_272, %mul3A_273 : i32
        %get3A = arith.index_cast %mul3A_274 : i32 to index
        %get3A_275 = tpu.vector_load %arg5[%get3A] {strides = array<i32>} : memref<2048xi32, #tpu.memory_space<vmem>>, vector<16xi32>,
        %get3A_276 = vector.shape_cast %get3A_275 : vector<16xi32> to vector<16xi32>
        %shift_right_arithmetic3A = arith.constant 12 : i32
        %shift_right_arithmetic3A_277 = vector.broadcast %shift_right_arithmetic3A : i32 to vector<16xi32>
        %shift_right_arithmetic3A_278 = arith.shrsi %get3A_276, %shift_right_arithmetic3A_277 : vector<16xi32>
        %mul3A_279 = arith.constant 4352 : i32
        %mul3A_280 = vector.broadcast %mul3A_279 : i32 to vector<16xi32>
        %mul3A_281 = arith.muli %shift_right_arithmetic3A_278, %mul3A_280 : vector<16xi32>
        %and3A_282 = arith.constant 31 : i32
        %and3A_283 = vector.broadcast %and3A_282 : i32 to vector<16xi32>
        %and3A_284 = arith.andi %get3A_276, %and3A_283 : vector<16xi32>
        %mul3A_285 = arith.constant 128 : i32
        %mul3A_286 = vector.broadcast %mul3A_285 : i32 to vector<16xi32>
        %mul3A_287 = arith.muli %and3A_284, %mul3A_286 : vector<16xi32>
        %add3A_288 = arith.addi %mul3A_281, %mul3A_287 : vector<16xi32>
        %shift_right_arithmetic3A_289 = arith.constant 5 : i32
        %shift_right_arithmetic3A_290 = vector.broadcast %shift_right_arithmetic3A_289 : i32 to vector<16xi32>
        %shift_right_arithmetic3A_291 = arith.shrsi %get3A_276, %shift_right_arithmetic3A_290 : vector<16xi32>
        %and3A_292 = arith.constant 127 : i32
        %and3A_293 = vector.broadcast %and3A_292 : i32 to vector<16xi32>
        %and3A_294 = arith.andi %shift_right_arithmetic3A_291, %and3A_293 : vector<16xi32>
        %add3A_295 = arith.addi %add3A_288, %and3A_294 : vector<16xi32>
        %sub3A = arith.constant 11775 : i32
        %sub3A_296 = vector.broadcast %sub3A : i32 to vector<16xi32>
        %sub3A_297 = arith.subi %sub3A_296, %shift_right_arithmetic3A_278 : vector<16xi32>
        %shift_right_arithmetic3A_298 = arith.constant 31 : i32
        %shift_right_arithmetic3A_299 = vector.broadcast %shift_right_arithmetic3A_298 : i32 to vector<16xi32>
        %shift_right_arithmetic3A_300 = arith.shrsi %sub3A_297, %shift_right_arithmetic3A_299 : vector<16xi32>
        %and3A_301 = arith.constant 1 : i32
        %and3A_302 = vector.broadcast %and3A_301 : i32 to vector<16xi32>
        %and3A_303 = arith.andi %shift_right_arithmetic3A_300, %and3A_302 : vector<16xi32>
        %sub3A_304 = arith.constant 1 : i32
        %sub3A_305 = arith.subi %sub3A_304, %arg0 : i32
        %xor3A = vector.broadcast %sub3A_305 : i32 to vector<16xi32>
        %xor3A_306 = arith.xori %and3A_303, %xor3A : vector<16xi32>
        %and3A_307 = arith.constant 7 : i32
        %and3A_308 = arith.andi %scan3A_272, %and3A_307 : i32
        %add3A_309 = arith.addi %add3A_52, %and3A_308 : i32
        %mul3A_310 = arith.constant 4352 : i32
        %mul3A_311 = arith.muli %add3A_309, %mul3A_310 : i32
        %add3A_312 = arith.constant 4096 : i32
        %add3A_313 = arith.addi %mul3A_311, %add3A_312 : i32
        %shift_right_arithmetic3A_314 = arith.constant 3 : i32
        %shift_right_arithmetic3A_315 = arith.shrsi %scan3A_272, %shift_right_arithmetic3A_314 : i32
        %and3A_316 = arith.constant 15 : i32
        %and3A_317 = arith.andi %shift_right_arithmetic3A_315, %and3A_316 : i32
        %mul3A_318 = arith.constant 16 : i32
        %mul3A_319 = arith.muli %and3A_317, %mul3A_318 : i32
        %add3A_320 = arith.addi %add3A_313, %mul3A_319 : i32
        %add3A_321 = vector.broadcast %add3A_320 : i32 to vector<16xi32>
        %add3A_322 = arith.addi %add3A_321, %iota3A : vector<16xi32>
        %mul3A_323 = arith.muli %xor3A_306, %add3A_295 : vector<16xi32>
        %sub3A_324 = arith.constant 1 : i32
        %sub3A_325 = vector.broadcast %sub3A_324 : i32 to vector<16xi32>
        %sub3A_326 = arith.subi %sub3A_325, %xor3A_306 : vector<16xi32>
        %mul3A_327 = arith.muli %sub3A_326, %add3A_322 : vector<16xi32>
        %add3A_328 = arith.addi %mul3A_323, %mul3A_327 : vector<16xi32>
        %mul3A_329 = arith.constant 16 : i32
        %mul3A_330 = arith.muli %scan3A_272, %mul3A_329 : i32
        %swap3A = arith.constant 0 : i32
        %swap3A_331 = arith.index_cast %swap3A : i32 to index
        %swap3A_332 = arith.index_cast %mul3A_330 : i32 to index
        %swap3A_333 = tpu.vector_load %arg6[%swap3A_331, %swap3A_332] {strides = array<i32>} : memref<1x2048xi32, #tpu.memory_space<vmem>>, vector<1x16xi32>,
        %swap3A_334 = vector.shape_cast %swap3A_333 : vector<1x16xi32> to vector<16xi32>
        %swap3A_335 = vector.shape_cast %add3A_328 : vector<16xi32> to vector<1x16xi32>
        tpu.vector_store %arg6[%swap3A_331, %swap3A_332], %swap3A_335 {strides = array<i32>} : memref<1x2048xi32, #tpu.memory_space<vmem>>, vector<1x16xi32>,
      }
      %scan3A_58 = arith.constant 128 : i32
      %dma_start3A = arith.constant 0 : i32
      %dma_start3A_59 = arith.constant 0 : i32
      %dma_start3A_60 = arith.constant 0 : i32
      %dma_start3A_61 = arith.constant 0 : i32
      %dma_start3A_62 = tpu.memref_slice %arg10[%dma_start3A, %dma_start3A_61] : memref<1x2048xi32, #tpu.memory_space<vmem>> -> memref<1x2048xi32, #tpu.memory_space<vmem>>
      %dma_start3A_63 = tpu.memref_squeeze %dma_start3A_62 : memref<1x2048xi32, #tpu.memory_space<vmem>> -> memref<2048xi32, #tpu.memory_space<vmem>>
      %dma_start3A_64 = arith.constant 0 : i32
      %dma_start3A_65 = tpu.memref_slice %arg6[%dma_start3A_59, %dma_start3A_64] : memref<1x2048xi32, #tpu.memory_space<vmem>> -> memref<1x2048xi32, #tpu.memory_space<vmem>>
      %dma_start3A_66 = tpu.memref_squeeze %dma_start3A_65 : memref<1x2048xi32, #tpu.memory_space<vmem>> -> memref<2048xi32, #tpu.memory_space<vmem>>
      %dma_start3A_67 = arith.constant 0 : i32
      %dma_start3A_68 = tpu.memref_slice %arg3[%dma_start3A_67] : memref<102498304xi32, #tpu.memory_space<hbm>> -> memref<102498304xi32, #tpu.memory_space<hbm>>
      %dma_start3A_69 = tpu.memref_slice %arg11[%dma_start3A_60] : memref<4x!tpu.dma_semaphore, #tpu.memory_space<semaphore_mem>> -> memref<1x!tpu.dma_semaphore, #tpu.memory_space<semaphore_mem>>
      %dma_start3A_70 = tpu.memref_squeeze %dma_start3A_69 : memref<1x!tpu.dma_semaphore, #tpu.memory_space<semaphore_mem>> -> memref<!tpu.dma_semaphore, #tpu.memory_space<semaphore_mem>>
      tpu.enqueue_indirect_dma source(%dma_start3A_63 : memref<2048xi32, #tpu.memory_space<vmem>>) target(%dma_start3A_68 : memref<102498304xi32, #tpu.memory_space<hbm>>) offsets(%dma_start3A_66 : memref<2048xi32, #tpu.memory_space<vmem>>) semaphore(%dma_start3A_70 : memref<!tpu.dma_semaphore, #tpu.memory_space<semaphore_mem>>)
      %mul3A_71 = arith.constant 4 : i32
      %mul3A_72 = arith.muli %scan3A_28, %mul3A_71 : i32
      %add3A_73 = arith.constant 1 : i32
      %add3A_74 = arith.addi %mul3A_72, %add3A_73 : i32
      %mul3A_75 = arith.constant 2048 : i32
      %mul3A_76 = arith.muli %add3A_74, %mul3A_75 : i32
      %add3A_77 = arith.addi %mul3A_21, %mul3A_76 : i32
      "tpu.region"() ({
        %run_scoped3A = tpu.sem_alloc : memref<!tpu.dma_semaphore, #tpu.memory_space<semaphore_mem>>
        %dma_start3A_272 = tpu.memref_slice %arg2[%add3A_77] : memref<3145728xi32, #tpu.memory_space<hbm>> -> memref<2048xi32, #tpu.memory_space<hbm>>
        %dma_start3A_273 = tpu.memref_slice %arg2[%add3A_77] : memref<3145728xi32, #tpu.memory_space<hbm>> -> memref<2048xi32, #tpu.memory_space<hbm>>
        tpu.enqueue_dma source(%dma_start3A_273 : memref<2048xi32, #tpu.memory_space<hbm>>) target(%arg5 : memref<2048xi32, #tpu.memory_space<vmem>>) target_semaphore(%run_scoped3A : memref<!tpu.dma_semaphore, #tpu.memory_space<semaphore_mem>>)
        %dma_wait3A_274 = tpu.memref_slice %arg2[%add3A_77] : memref<3145728xi32, #tpu.memory_space<hbm>> -> memref<2048xi32, #tpu.memory_space<hbm>>
        %dma_wait3A_275 = tpu.memref_slice %arg2[%add3A_77] : memref<3145728xi32, #tpu.memory_space<hbm>> -> memref<2048xi32, #tpu.memory_space<hbm>>
        tpu.wait_dma2 semaphore(%run_scoped3A : memref<!tpu.dma_semaphore, #tpu.memory_space<semaphore_mem>>) src(%dma_wait3A_275 : memref<2048xi32, #tpu.memory_space<hbm>>) dst(%arg5 : memref<2048xi32, #tpu.memory_space<vmem>>)
        tpu.yield
      }) : () -> ()
      %mul3A_78 = arith.constant 96 : i32
      %mul3A_79 = arith.muli %arg1, %mul3A_78 : i32
      %add3A_80 = arith.addi %mul3A_79, %add3A_74 : i32
      %mul3A_81 = arith.constant 8 : i32
      %mul3A_82 = arith.muli %add3A_80, %mul3A_81 : i32
      %jit3A_83 = arith.constant 11768 : i32
      %eq3A_84 = arith.constant 0 : i32
      %eq3A_85 = arith.cmpi eq, %jit3A_83, %eq3A_84 : i32
      %jit3A_86 = arith.constant 1 : i32
      %select_n3A_87 = arith.select %eq3A_85, %jit3A_86, %jit3A_83 : i32
      %rem3A_88 = arith.remsi %mul3A_82, %select_n3A_87 : i32
      %ne3A_89 = arith.constant 0 : i32
      %ne3A_90 = arith.cmpi ne, %rem3A_88, %ne3A_89 : i32
      %lt3A_91 = arith.constant 0 : i32
      %lt3A_92 = arith.cmpi slt, %rem3A_88, %lt3A_91 : i32
      %lt3A_93 = arith.constant 0 : i32
      %lt3A_94 = arith.cmpi slt, %select_n3A_87, %lt3A_93 : i32
      %ne3A_95 = arith.xori %lt3A_92, %lt3A_94 : i1
      %and3A_96 = arith.andi %ne3A_95, %ne3A_90 : i1
      %add3A_97 = arith.addi %rem3A_88, %select_n3A_87 : i32
      %select_n3A_98 = arith.select %and3A_96, %add3A_97, %rem3A_88 : i32
      %mul3A_99 = arith.constant 11776 : i32
      %mul3A_100 = arith.muli %arg0, %mul3A_99 : i32
      %add3A_101 = arith.addi %select_n3A_98, %mul3A_100 : i32
      %scan3A_102 = arith.constant 0 : i32
      %scan3A_103 = arith.constant 0 : i32
      %scan3A_104 = arith.constant 128 : i32
      %scan3A_105 = arith.addi %scan3A_103, %scan3A_104 : i32
      %scan3A_106 = arith.constant 1 : i32
      scf.for %scan3A_272 = %scan3A_103 to %scan3A_105 step %scan3A_106  : i32 {
        %mul3A_273 = arith.constant 16 : i32
        %mul3A_274 = arith.muli %scan3A_272, %mul3A_273 : i32
        %get3A = arith.index_cast %mul3A_274 : i32 to index
        %get3A_275 = tpu.vector_load %arg5[%get3A] {strides = array<i32>} : memref<2048xi32, #tpu.memory_space<vmem>>, vector<16xi32>,
        %get3A_276 = vector.shape_cast %get3A_275 : vector<16xi32> to vector<16xi32>
        %shift_right_arithmetic3A = arith.constant 12 : i32
        %shift_right_arithmetic3A_277 = vector.broadcast %shift_right_arithmetic3A : i32 to vector<16xi32>
        %shift_right_arithmetic3A_278 = arith.shrsi %get3A_276, %shift_right_arithmetic3A_277 : vector<16xi32>
        %mul3A_279 = arith.constant 4352 : i32
        %mul3A_280 = vector.broadcast %mul3A_279 : i32 to vector<16xi32>
        %mul3A_281 = arith.muli %shift_right_arithmetic3A_278, %mul3A_280 : vector<16xi32>
        %and3A_282 = arith.constant 31 : i32
        %and3A_283 = vector.broadcast %and3A_282 : i32 to vector<16xi32>
        %and3A_284 = arith.andi %get3A_276, %and3A_283 : vector<16xi32>
        %mul3A_285 = arith.constant 128 : i32
        %mul3A_286 = vector.broadcast %mul3A_285 : i32 to vector<16xi32>
        %mul3A_287 = arith.muli %and3A_284, %mul3A_286 : vector<16xi32>
        %add3A_288 = arith.addi %mul3A_281, %mul3A_287 : vector<16xi32>
        %shift_right_arithmetic3A_289 = arith.constant 5 : i32
        %shift_right_arithmetic3A_290 = vector.broadcast %shift_right_arithmetic3A_289 : i32 to vector<16xi32>
        %shift_right_arithmetic3A_291 = arith.shrsi %get3A_276, %shift_right_arithmetic3A_290 : vector<16xi32>
        %and3A_292 = arith.constant 127 : i32
        %and3A_293 = vector.broadcast %and3A_292 : i32 to vector<16xi32>
        %and3A_294 = arith.andi %shift_right_arithmetic3A_291, %and3A_293 : vector<16xi32>
        %add3A_295 = arith.addi %add3A_288, %and3A_294 : vector<16xi32>
        %sub3A = arith.constant 11775 : i32
        %sub3A_296 = vector.broadcast %sub3A : i32 to vector<16xi32>
        %sub3A_297 = arith.subi %sub3A_296, %shift_right_arithmetic3A_278 : vector<16xi32>
        %shift_right_arithmetic3A_298 = arith.constant 31 : i32
        %shift_right_arithmetic3A_299 = vector.broadcast %shift_right_arithmetic3A_298 : i32 to vector<16xi32>
        %shift_right_arithmetic3A_300 = arith.shrsi %sub3A_297, %shift_right_arithmetic3A_299 : vector<16xi32>
        %and3A_301 = arith.constant 1 : i32
        %and3A_302 = vector.broadcast %and3A_301 : i32 to vector<16xi32>
        %and3A_303 = arith.andi %shift_right_arithmetic3A_300, %and3A_302 : vector<16xi32>
        %sub3A_304 = arith.constant 1 : i32
        %sub3A_305 = arith.subi %sub3A_304, %arg0 : i32
        %xor3A = vector.broadcast %sub3A_305 : i32 to vector<16xi32>
        %xor3A_306 = arith.xori %and3A_303, %xor3A : vector<16xi32>
        %and3A_307 = arith.constant 7 : i32
        %and3A_308 = arith.andi %scan3A_272, %and3A_307 : i32
        %add3A_309 = arith.addi %add3A_101, %and3A_308 : i32
        %mul3A_310 = arith.constant 4352 : i32
        %mul3A_311 = arith.muli %add3A_309, %mul3A_310 : i32
        %add3A_312 = arith.constant 4096 : i32
        %add3A_313 = arith.addi %mul3A_311, %add3A_312 : i32
        %shift_right_arithmetic3A_314 = arith.constant 3 : i32
        %shift_right_arithmetic3A_315 = arith.shrsi %scan3A_272, %shift_right_arithmetic3A_314 : i32
        %and3A_316 = arith.constant 15 : i32
        %and3A_317 = arith.andi %shift_right_arithmetic3A_315, %and3A_316 : i32
        %mul3A_318 = arith.constant 16 : i32
        %mul3A_319 = arith.muli %and3A_317, %mul3A_318 : i32
        %add3A_320 = arith.addi %add3A_313, %mul3A_319 : i32
        %add3A_321 = vector.broadcast %add3A_320 : i32 to vector<16xi32>
        %add3A_322 = arith.addi %add3A_321, %iota3A : vector<16xi32>
        %mul3A_323 = arith.muli %xor3A_306, %add3A_295 : vector<16xi32>
        %sub3A_324 = arith.constant 1 : i32
        %sub3A_325 = vector.broadcast %sub3A_324 : i32 to vector<16xi32>
        %sub3A_326 = arith.subi %sub3A_325, %xor3A_306 : vector<16xi32>
        %mul3A_327 = arith.muli %sub3A_326, %add3A_322 : vector<16xi32>
        %add3A_328 = arith.addi %mul3A_323, %mul3A_327 : vector<16xi32>
        %mul3A_329 = arith.constant 16 : i32
        %mul3A_330 = arith.muli %scan3A_272, %mul3A_329 : i32
        %swap3A = arith.constant 0 : i32
        %swap3A_331 = arith.index_cast %swap3A : i32 to index
        %swap3A_332 = arith.index_cast %mul3A_330 : i32 to index
        %swap3A_333 = tpu.vector_load %arg7[%swap3A_331, %swap3A_332] {strides = array<i32>} : memref<1x2048xi32, #tpu.memory_space<vmem>>, vector<1x16xi32>,
        %swap3A_334 = vector.shape_cast %swap3A_333 : vector<1x16xi32> to vector<16xi32>
        %swap3A_335 = vector.shape_cast %add3A_328 : vector<16xi32> to vector<1x16xi32>
        tpu.vector_store %arg7[%swap3A_331, %swap3A_332], %swap3A_335 {strides = array<i32>} : memref<1x2048xi32, #tpu.memory_space<vmem>>, vector<1x16xi32>,
      }
      %scan3A_107 = arith.constant 128 : i32
      %dma_start3A_108 = arith.constant 0 : i32
      %dma_start3A_109 = arith.constant 0 : i32
      %dma_start3A_110 = arith.constant 1 : i32
      %dma_start3A_111 = arith.constant 0 : i32
      %dma_start3A_112 = tpu.memref_slice %arg10[%dma_start3A_108, %dma_start3A_111] : memref<1x2048xi32, #tpu.memory_space<vmem>> -> memref<1x2048xi32, #tpu.memory_space<vmem>>
      %dma_start3A_113 = tpu.memref_squeeze %dma_start3A_112 : memref<1x2048xi32, #tpu.memory_space<vmem>> -> memref<2048xi32, #tpu.memory_space<vmem>>
      %dma_start3A_114 = arith.constant 0 : i32
      %dma_start3A_115 = tpu.memref_slice %arg7[%dma_start3A_109, %dma_start3A_114] : memref<1x2048xi32, #tpu.memory_space<vmem>> -> memref<1x2048xi32, #tpu.memory_space<vmem>>
      %dma_start3A_116 = tpu.memref_squeeze %dma_start3A_115 : memref<1x2048xi32, #tpu.memory_space<vmem>> -> memref<2048xi32, #tpu.memory_space<vmem>>
      %dma_start3A_117 = arith.constant 0 : i32
      %dma_start3A_118 = tpu.memref_slice %arg3[%dma_start3A_117] : memref<102498304xi32, #tpu.memory_space<hbm>> -> memref<102498304xi32, #tpu.memory_space<hbm>>
      %dma_start3A_119 = tpu.memref_slice %arg11[%dma_start3A_110] : memref<4x!tpu.dma_semaphore, #tpu.memory_space<semaphore_mem>> -> memref<1x!tpu.dma_semaphore, #tpu.memory_space<semaphore_mem>>
      %dma_start3A_120 = tpu.memref_squeeze %dma_start3A_119 : memref<1x!tpu.dma_semaphore, #tpu.memory_space<semaphore_mem>> -> memref<!tpu.dma_semaphore, #tpu.memory_space<semaphore_mem>>
      tpu.enqueue_indirect_dma source(%dma_start3A_113 : memref<2048xi32, #tpu.memory_space<vmem>>) target(%dma_start3A_118 : memref<102498304xi32, #tpu.memory_space<hbm>>) offsets(%dma_start3A_116 : memref<2048xi32, #tpu.memory_space<vmem>>) semaphore(%dma_start3A_120 : memref<!tpu.dma_semaphore, #tpu.memory_space<semaphore_mem>>)
      %mul3A_121 = arith.constant 4 : i32
      %mul3A_122 = arith.muli %scan3A_28, %mul3A_121 : i32
      %add3A_123 = arith.constant 2 : i32
      %add3A_124 = arith.addi %mul3A_122, %add3A_123 : i32
      %mul3A_125 = arith.constant 2048 : i32
      %mul3A_126 = arith.muli %add3A_124, %mul3A_125 : i32
      %add3A_127 = arith.addi %mul3A_21, %mul3A_126 : i32
      "tpu.region"() ({
        %run_scoped3A = tpu.sem_alloc : memref<!tpu.dma_semaphore, #tpu.memory_space<semaphore_mem>>
        %dma_start3A_272 = tpu.memref_slice %arg2[%add3A_127] : memref<3145728xi32, #tpu.memory_space<hbm>> -> memref<2048xi32, #tpu.memory_space<hbm>>
        %dma_start3A_273 = tpu.memref_slice %arg2[%add3A_127] : memref<3145728xi32, #tpu.memory_space<hbm>> -> memref<2048xi32, #tpu.memory_space<hbm>>
        tpu.enqueue_dma source(%dma_start3A_273 : memref<2048xi32, #tpu.memory_space<hbm>>) target(%arg5 : memref<2048xi32, #tpu.memory_space<vmem>>) target_semaphore(%run_scoped3A : memref<!tpu.dma_semaphore, #tpu.memory_space<semaphore_mem>>)
        %dma_wait3A_274 = tpu.memref_slice %arg2[%add3A_127] : memref<3145728xi32, #tpu.memory_space<hbm>> -> memref<2048xi32, #tpu.memory_space<hbm>>
        %dma_wait3A_275 = tpu.memref_slice %arg2[%add3A_127] : memref<3145728xi32, #tpu.memory_space<hbm>> -> memref<2048xi32, #tpu.memory_space<hbm>>
        tpu.wait_dma2 semaphore(%run_scoped3A : memref<!tpu.dma_semaphore, #tpu.memory_space<semaphore_mem>>) src(%dma_wait3A_275 : memref<2048xi32, #tpu.memory_space<hbm>>) dst(%arg5 : memref<2048xi32, #tpu.memory_space<vmem>>)
        tpu.yield
      }) : () -> ()
      %mul3A_128 = arith.constant 96 : i32
      %mul3A_129 = arith.muli %arg1, %mul3A_128 : i32
      %add3A_130 = arith.addi %mul3A_129, %add3A_124 : i32
      %mul3A_131 = arith.constant 8 : i32
      %mul3A_132 = arith.muli %add3A_130, %mul3A_131 : i32
      %jit3A_133 = arith.constant 11768 : i32
      %eq3A_134 = arith.constant 0 : i32
      %eq3A_135 = arith.cmpi eq, %jit3A_133, %eq3A_134 : i32
      %jit3A_136 = arith.constant 1 : i32
      %select_n3A_137 = arith.select %eq3A_135, %jit3A_136, %jit3A_133 : i32
      %rem3A_138 = arith.remsi %mul3A_132, %select_n3A_137 : i32
      %ne3A_139 = arith.constant 0 : i32
      %ne3A_140 = arith.cmpi ne, %rem3A_138, %ne3A_139 : i32
      %lt3A_141 = arith.constant 0 : i32
      %lt3A_142 = arith.cmpi slt, %rem3A_138, %lt3A_141 : i32
      %lt3A_143 = arith.constant 0 : i32
      %lt3A_144 = arith.cmpi slt, %select_n3A_137, %lt3A_143 : i32
      %ne3A_145 = arith.xori %lt3A_142, %lt3A_144 : i1
      %and3A_146 = arith.andi %ne3A_145, %ne3A_140 : i1
      %add3A_147 = arith.addi %rem3A_138, %select_n3A_137 : i32
      %select_n3A_148 = arith.select %and3A_146, %add3A_147, %rem3A_138 : i32
      %mul3A_149 = arith.constant 11776 : i32
      %mul3A_150 = arith.muli %arg0, %mul3A_149 : i32
      %add3A_151 = arith.addi %select_n3A_148, %mul3A_150 : i32
      %scan3A_152 = arith.constant 0 : i32
      %scan3A_153 = arith.constant 0 : i32
      %scan3A_154 = arith.constant 128 : i32
      %scan3A_155 = arith.addi %scan3A_153, %scan3A_154 : i32
      %scan3A_156 = arith.constant 1 : i32
      scf.for %scan3A_272 = %scan3A_153 to %scan3A_155 step %scan3A_156  : i32 {
        %mul3A_273 = arith.constant 16 : i32
        %mul3A_274 = arith.muli %scan3A_272, %mul3A_273 : i32
        %get3A = arith.index_cast %mul3A_274 : i32 to index
        %get3A_275 = tpu.vector_load %arg5[%get3A] {strides = array<i32>} : memref<2048xi32, #tpu.memory_space<vmem>>, vector<16xi32>,
        %get3A_276 = vector.shape_cast %get3A_275 : vector<16xi32> to vector<16xi32>
        %shift_right_arithmetic3A = arith.constant 12 : i32
        %shift_right_arithmetic3A_277 = vector.broadcast %shift_right_arithmetic3A : i32 to vector<16xi32>
        %shift_right_arithmetic3A_278 = arith.shrsi %get3A_276, %shift_right_arithmetic3A_277 : vector<16xi32>
        %mul3A_279 = arith.constant 4352 : i32
        %mul3A_280 = vector.broadcast %mul3A_279 : i32 to vector<16xi32>
        %mul3A_281 = arith.muli %shift_right_arithmetic3A_278, %mul3A_280 : vector<16xi32>
        %and3A_282 = arith.constant 31 : i32
        %and3A_283 = vector.broadcast %and3A_282 : i32 to vector<16xi32>
        %and3A_284 = arith.andi %get3A_276, %and3A_283 : vector<16xi32>
        %mul3A_285 = arith.constant 128 : i32
        %mul3A_286 = vector.broadcast %mul3A_285 : i32 to vector<16xi32>
        %mul3A_287 = arith.muli %and3A_284, %mul3A_286 : vector<16xi32>
        %add3A_288 = arith.addi %mul3A_281, %mul3A_287 : vector<16xi32>
        %shift_right_arithmetic3A_289 = arith.constant 5 : i32
        %shift_right_arithmetic3A_290 = vector.broadcast %shift_right_arithmetic3A_289 : i32 to vector<16xi32>
        %shift_right_arithmetic3A_291 = arith.shrsi %get3A_276, %shift_right_arithmetic3A_290 : vector<16xi32>
        %and3A_292 = arith.constant 127 : i32
        %and3A_293 = vector.broadcast %and3A_292 : i32 to vector<16xi32>
        %and3A_294 = arith.andi %shift_right_arithmetic3A_291, %and3A_293 : vector<16xi32>
        %add3A_295 = arith.addi %add3A_288, %and3A_294 : vector<16xi32>
        %sub3A = arith.constant 11775 : i32
        %sub3A_296 = vector.broadcast %sub3A : i32 to vector<16xi32>
        %sub3A_297 = arith.subi %sub3A_296, %shift_right_arithmetic3A_278 : vector<16xi32>
        %shift_right_arithmetic3A_298 = arith.constant 31 : i32
        %shift_right_arithmetic3A_299 = vector.broadcast %shift_right_arithmetic3A_298 : i32 to vector<16xi32>
        %shift_right_arithmetic3A_300 = arith.shrsi %sub3A_297, %shift_right_arithmetic3A_299 : vector<16xi32>
        %and3A_301 = arith.constant 1 : i32
        %and3A_302 = vector.broadcast %and3A_301 : i32 to vector<16xi32>
        %and3A_303 = arith.andi %shift_right_arithmetic3A_300, %and3A_302 : vector<16xi32>
        %sub3A_304 = arith.constant 1 : i32
        %sub3A_305 = arith.subi %sub3A_304, %arg0 : i32
        %xor3A = vector.broadcast %sub3A_305 : i32 to vector<16xi32>
        %xor3A_306 = arith.xori %and3A_303, %xor3A : vector<16xi32>
        %and3A_307 = arith.constant 7 : i32
        %and3A_308 = arith.andi %scan3A_272, %and3A_307 : i32
        %add3A_309 = arith.addi %add3A_151, %and3A_308 : i32
        %mul3A_310 = arith.constant 4352 : i32
        %mul3A_311 = arith.muli %add3A_309, %mul3A_310 : i32
        %add3A_312 = arith.constant 4096 : i32
        %add3A_313 = arith.addi %mul3A_311, %add3A_312 : i32
        %shift_right_arithmetic3A_314 = arith.constant 3 : i32
        %shift_right_arithmetic3A_315 = arith.shrsi %scan3A_272, %shift_right_arithmetic3A_314 : i32
        %and3A_316 = arith.constant 15 : i32
        %and3A_317 = arith.andi %shift_right_arithmetic3A_315, %and3A_316 : i32
        %mul3A_318 = arith.constant 16 : i32
        %mul3A_319 = arith.muli %and3A_317, %mul3A_318 : i32
        %add3A_320 = arith.addi %add3A_313, %mul3A_319 : i32
        %add3A_321 = vector.broadcast %add3A_320 : i32 to vector<16xi32>
        %add3A_322 = arith.addi %add3A_321, %iota3A : vector<16xi32>
        %mul3A_323 = arith.muli %xor3A_306, %add3A_295 : vector<16xi32>
        %sub3A_324 = arith.constant 1 : i32
        %sub3A_325 = vector.broadcast %sub3A_324 : i32 to vector<16xi32>
        %sub3A_326 = arith.subi %sub3A_325, %xor3A_306 : vector<16xi32>
        %mul3A_327 = arith.muli %sub3A_326, %add3A_322 : vector<16xi32>
        %add3A_328 = arith.addi %mul3A_323, %mul3A_327 : vector<16xi32>
        %mul3A_329 = arith.constant 16 : i32
        %mul3A_330 = arith.muli %scan3A_272, %mul3A_329 : i32
        %swap3A = arith.constant 0 : i32
        %swap3A_331 = arith.index_cast %swap3A : i32 to index
        %swap3A_332 = arith.index_cast %mul3A_330 : i32 to index
        %swap3A_333 = tpu.vector_load %arg8[%swap3A_331, %swap3A_332] {strides = array<i32>} : memref<1x2048xi32, #tpu.memory_space<vmem>>, vector<1x16xi32>,
        %swap3A_334 = vector.shape_cast %swap3A_333 : vector<1x16xi32> to vector<16xi32>
        %swap3A_335 = vector.shape_cast %add3A_328 : vector<16xi32> to vector<1x16xi32>
        tpu.vector_store %arg8[%swap3A_331, %swap3A_332], %swap3A_335 {strides = array<i32>} : memref<1x2048xi32, #tpu.memory_space<vmem>>, vector<1x16xi32>,
      }
      %scan3A_157 = arith.constant 128 : i32
      %dma_start3A_158 = arith.constant 0 : i32
      %dma_start3A_159 = arith.constant 0 : i32
      %dma_start3A_160 = arith.constant 2 : i32
      %dma_start3A_161 = arith.constant 0 : i32
      %dma_start3A_162 = tpu.memref_slice %arg10[%dma_start3A_158, %dma_start3A_161] : memref<1x2048xi32, #tpu.memory_space<vmem>> -> memref<1x2048xi32, #tpu.memory_space<vmem>>
      %dma_start3A_163 = tpu.memref_squeeze %dma_start3A_162 : memref<1x2048xi32, #tpu.memory_space<vmem>> -> memref<2048xi32, #tpu.memory_space<vmem>>
      %dma_start3A_164 = arith.constant 0 : i32
      %dma_start3A_165 = tpu.memref_slice %arg8[%dma_start3A_159, %dma_start3A_164] : memref<1x2048xi32, #tpu.memory_space<vmem>> -> memref<1x2048xi32, #tpu.memory_space<vmem>>
      %dma_start3A_166 = tpu.memref_squeeze %dma_start3A_165 : memref<1x2048xi32, #tpu.memory_space<vmem>> -> memref<2048xi32, #tpu.memory_space<vmem>>
      %dma_start3A_167 = arith.constant 0 : i32
      %dma_start3A_168 = tpu.memref_slice %arg3[%dma_start3A_167] : memref<102498304xi32, #tpu.memory_space<hbm>> -> memref<102498304xi32, #tpu.memory_space<hbm>>
      %dma_start3A_169 = tpu.memref_slice %arg11[%dma_start3A_160] : memref<4x!tpu.dma_semaphore, #tpu.memory_space<semaphore_mem>> -> memref<1x!tpu.dma_semaphore, #tpu.memory_space<semaphore_mem>>
      %dma_start3A_170 = tpu.memref_squeeze %dma_start3A_169 : memref<1x!tpu.dma_semaphore, #tpu.memory_space<semaphore_mem>> -> memref<!tpu.dma_semaphore, #tpu.memory_space<semaphore_mem>>
      tpu.enqueue_indirect_dma source(%dma_start3A_163 : memref<2048xi32, #tpu.memory_space<vmem>>) target(%dma_start3A_168 : memref<102498304xi32, #tpu.memory_space<hbm>>) offsets(%dma_start3A_166 : memref<2048xi32, #tpu.memory_space<vmem>>) semaphore(%dma_start3A_170 : memref<!tpu.dma_semaphore, #tpu.memory_space<semaphore_mem>>)
      %mul3A_171 = arith.constant 4 : i32
      %mul3A_172 = arith.muli %scan3A_28, %mul3A_171 : i32
      %add3A_173 = arith.constant 3 : i32
      %add3A_174 = arith.addi %mul3A_172, %add3A_173 : i32
      %mul3A_175 = arith.constant 2048 : i32
      %mul3A_176 = arith.muli %add3A_174, %mul3A_175 : i32
      %add3A_177 = arith.addi %mul3A_21, %mul3A_176 : i32
      "tpu.region"() ({
        %run_scoped3A = tpu.sem_alloc : memref<!tpu.dma_semaphore, #tpu.memory_space<semaphore_mem>>
        %dma_start3A_272 = tpu.memref_slice %arg2[%add3A_177] : memref<3145728xi32, #tpu.memory_space<hbm>> -> memref<2048xi32, #tpu.memory_space<hbm>>
        %dma_start3A_273 = tpu.memref_slice %arg2[%add3A_177] : memref<3145728xi32, #tpu.memory_space<hbm>> -> memref<2048xi32, #tpu.memory_space<hbm>>
        tpu.enqueue_dma source(%dma_start3A_273 : memref<2048xi32, #tpu.memory_space<hbm>>) target(%arg5 : memref<2048xi32, #tpu.memory_space<vmem>>) target_semaphore(%run_scoped3A : memref<!tpu.dma_semaphore, #tpu.memory_space<semaphore_mem>>)
        %dma_wait3A_274 = tpu.memref_slice %arg2[%add3A_177] : memref<3145728xi32, #tpu.memory_space<hbm>> -> memref<2048xi32, #tpu.memory_space<hbm>>
        %dma_wait3A_275 = tpu.memref_slice %arg2[%add3A_177] : memref<3145728xi32, #tpu.memory_space<hbm>> -> memref<2048xi32, #tpu.memory_space<hbm>>
        tpu.wait_dma2 semaphore(%run_scoped3A : memref<!tpu.dma_semaphore, #tpu.memory_space<semaphore_mem>>) src(%dma_wait3A_275 : memref<2048xi32, #tpu.memory_space<hbm>>) dst(%arg5 : memref<2048xi32, #tpu.memory_space<vmem>>)
        tpu.yield
      }) : () -> ()
      %mul3A_178 = arith.constant 96 : i32
      %mul3A_179 = arith.muli %arg1, %mul3A_178 : i32
      %add3A_180 = arith.addi %mul3A_179, %add3A_174 : i32
      %mul3A_181 = arith.constant 8 : i32
      %mul3A_182 = arith.muli %add3A_180, %mul3A_181 : i32
      %jit3A_183 = arith.constant 11768 : i32
      %eq3A_184 = arith.constant 0 : i32
      %eq3A_185 = arith.cmpi eq, %jit3A_183, %eq3A_184 : i32
      %jit3A_186 = arith.constant 1 : i32
      %select_n3A_187 = arith.select %eq3A_185, %jit3A_186, %jit3A_183 : i32
      %rem3A_188 = arith.remsi %mul3A_182, %select_n3A_187 : i32
      %ne3A_189 = arith.constant 0 : i32
      %ne3A_190 = arith.cmpi ne, %rem3A_188, %ne3A_189 : i32
      %lt3A_191 = arith.constant 0 : i32
      %lt3A_192 = arith.cmpi slt, %rem3A_188, %lt3A_191 : i32
      %lt3A_193 = arith.constant 0 : i32
      %lt3A_194 = arith.cmpi slt, %select_n3A_187, %lt3A_193 : i32
      %ne3A_195 = arith.xori %lt3A_192, %lt3A_194 : i1
      %and3A_196 = arith.andi %ne3A_195, %ne3A_190 : i1
      %add3A_197 = arith.addi %rem3A_188, %select_n3A_187 : i32
      %select_n3A_198 = arith.select %and3A_196, %add3A_197, %rem3A_188 : i32
      %mul3A_199 = arith.constant 11776 : i32
      %mul3A_200 = arith.muli %arg0, %mul3A_199 : i32
      %add3A_201 = arith.addi %select_n3A_198, %mul3A_200 : i32
      %scan3A_202 = arith.constant 0 : i32
      %scan3A_203 = arith.constant 0 : i32
      %scan3A_204 = arith.constant 128 : i32
      %scan3A_205 = arith.addi %scan3A_203, %scan3A_204 : i32
      %scan3A_206 = arith.constant 1 : i32
      scf.for %scan3A_272 = %scan3A_203 to %scan3A_205 step %scan3A_206  : i32 {
        %mul3A_273 = arith.constant 16 : i32
        %mul3A_274 = arith.muli %scan3A_272, %mul3A_273 : i32
        %get3A = arith.index_cast %mul3A_274 : i32 to index
        %get3A_275 = tpu.vector_load %arg5[%get3A] {strides = array<i32>} : memref<2048xi32, #tpu.memory_space<vmem>>, vector<16xi32>,
        %get3A_276 = vector.shape_cast %get3A_275 : vector<16xi32> to vector<16xi32>
        %shift_right_arithmetic3A = arith.constant 12 : i32
        %shift_right_arithmetic3A_277 = vector.broadcast %shift_right_arithmetic3A : i32 to vector<16xi32>
        %shift_right_arithmetic3A_278 = arith.shrsi %get3A_276, %shift_right_arithmetic3A_277 : vector<16xi32>
        %mul3A_279 = arith.constant 4352 : i32
        %mul3A_280 = vector.broadcast %mul3A_279 : i32 to vector<16xi32>
        %mul3A_281 = arith.muli %shift_right_arithmetic3A_278, %mul3A_280 : vector<16xi32>
        %and3A_282 = arith.constant 31 : i32
        %and3A_283 = vector.broadcast %and3A_282 : i32 to vector<16xi32>
        %and3A_284 = arith.andi %get3A_276, %and3A_283 : vector<16xi32>
        %mul3A_285 = arith.constant 128 : i32
        %mul3A_286 = vector.broadcast %mul3A_285 : i32 to vector<16xi32>
        %mul3A_287 = arith.muli %and3A_284, %mul3A_286 : vector<16xi32>
        %add3A_288 = arith.addi %mul3A_281, %mul3A_287 : vector<16xi32>
        %shift_right_arithmetic3A_289 = arith.constant 5 : i32
        %shift_right_arithmetic3A_290 = vector.broadcast %shift_right_arithmetic3A_289 : i32 to vector<16xi32>
        %shift_right_arithmetic3A_291 = arith.shrsi %get3A_276, %shift_right_arithmetic3A_290 : vector<16xi32>
        %and3A_292 = arith.constant 127 : i32
        %and3A_293 = vector.broadcast %and3A_292 : i32 to vector<16xi32>
        %and3A_294 = arith.andi %shift_right_arithmetic3A_291, %and3A_293 : vector<16xi32>
        %add3A_295 = arith.addi %add3A_288, %and3A_294 : vector<16xi32>
        %sub3A = arith.constant 11775 : i32
        %sub3A_296 = vector.broadcast %sub3A : i32 to vector<16xi32>
        %sub3A_297 = arith.subi %sub3A_296, %shift_right_arithmetic3A_278 : vector<16xi32>
        %shift_right_arithmetic3A_298 = arith.constant 31 : i32
        %shift_right_arithmetic3A_299 = vector.broadcast %shift_right_arithmetic3A_298 : i32 to vector<16xi32>
        %shift_right_arithmetic3A_300 = arith.shrsi %sub3A_297, %shift_right_arithmetic3A_299 : vector<16xi32>
        %and3A_301 = arith.constant 1 : i32
        %and3A_302 = vector.broadcast %and3A_301 : i32 to vector<16xi32>
        %and3A_303 = arith.andi %shift_right_arithmetic3A_300, %and3A_302 : vector<16xi32>
        %sub3A_304 = arith.constant 1 : i32
        %sub3A_305 = arith.subi %sub3A_304, %arg0 : i32
        %xor3A = vector.broadcast %sub3A_305 : i32 to vector<16xi32>
        %xor3A_306 = arith.xori %and3A_303, %xor3A : vector<16xi32>
        %and3A_307 = arith.constant 7 : i32
        %and3A_308 = arith.andi %scan3A_272, %and3A_307 : i32
        %add3A_309 = arith.addi %add3A_201, %and3A_308 : i32
        %mul3A_310 = arith.constant 4352 : i32
        %mul3A_311 = arith.muli %add3A_309, %mul3A_310 : i32
        %add3A_312 = arith.constant 4096 : i32
        %add3A_313 = arith.addi %mul3A_311, %add3A_312 : i32
        %shift_right_arithmetic3A_314 = arith.constant 3 : i32
        %shift_right_arithmetic3A_315 = arith.shrsi %scan3A_272, %shift_right_arithmetic3A_314 : i32
        %and3A_316 = arith.constant 15 : i32
        %and3A_317 = arith.andi %shift_right_arithmetic3A_315, %and3A_316 : i32
        %mul3A_318 = arith.constant 16 : i32
        %mul3A_319 = arith.muli %and3A_317, %mul3A_318 : i32
        %add3A_320 = arith.addi %add3A_313, %mul3A_319 : i32
        %add3A_321 = vector.broadcast %add3A_320 : i32 to vector<16xi32>
        %add3A_322 = arith.addi %add3A_321, %iota3A : vector<16xi32>
        %mul3A_323 = arith.muli %xor3A_306, %add3A_295 : vector<16xi32>
        %sub3A_324 = arith.constant 1 : i32
        %sub3A_325 = vector.broadcast %sub3A_324 : i32 to vector<16xi32>
        %sub3A_326 = arith.subi %sub3A_325, %xor3A_306 : vector<16xi32>
        %mul3A_327 = arith.muli %sub3A_326, %add3A_322 : vector<16xi32>
        %add3A_328 = arith.addi %mul3A_323, %mul3A_327 : vector<16xi32>
        %mul3A_329 = arith.constant 16 : i32
        %mul3A_330 = arith.muli %scan3A_272, %mul3A_329 : i32
        %swap3A = arith.constant 0 : i32
        %swap3A_331 = arith.index_cast %swap3A : i32 to index
        %swap3A_332 = arith.index_cast %mul3A_330 : i32 to index
        %swap3A_333 = tpu.vector_load %arg9[%swap3A_331, %swap3A_332] {strides = array<i32>} : memref<1x2048xi32, #tpu.memory_space<vmem>>, vector<1x16xi32>,
        %swap3A_334 = vector.shape_cast %swap3A_333 : vector<1x16xi32> to vector<16xi32>
        %swap3A_335 = vector.shape_cast %add3A_328 : vector<16xi32> to vector<1x16xi32>
        tpu.vector_store %arg9[%swap3A_331, %swap3A_332], %swap3A_335 {strides = array<i32>} : memref<1x2048xi32, #tpu.memory_space<vmem>>, vector<1x16xi32>,
      }
      %scan3A_207 = arith.constant 128 : i32
      %dma_start3A_208 = arith.constant 0 : i32
      %dma_start3A_209 = arith.constant 0 : i32
      %dma_start3A_210 = arith.constant 3 : i32
      %dma_start3A_211 = arith.constant 0 : i32
      %dma_start3A_212 = tpu.memref_slice %arg10[%dma_start3A_208, %dma_start3A_211] : memref<1x2048xi32, #tpu.memory_space<vmem>> -> memref<1x2048xi32, #tpu.memory_space<vmem>>
      %dma_start3A_213 = tpu.memref_squeeze %dma_start3A_212 : memref<1x2048xi32, #tpu.memory_space<vmem>> -> memref<2048xi32, #tpu.memory_space<vmem>>
      %dma_start3A_214 = arith.constant 0 : i32
      %dma_start3A_215 = tpu.memref_slice %arg9[%dma_start3A_209, %dma_start3A_214] : memref<1x2048xi32, #tpu.memory_space<vmem>> -> memref<1x2048xi32, #tpu.memory_space<vmem>>
      %dma_start3A_216 = tpu.memref_squeeze %dma_start3A_215 : memref<1x2048xi32, #tpu.memory_space<vmem>> -> memref<2048xi32, #tpu.memory_space<vmem>>
      %dma_start3A_217 = arith.constant 0 : i32
      %dma_start3A_218 = tpu.memref_slice %arg3[%dma_start3A_217] : memref<102498304xi32, #tpu.memory_space<hbm>> -> memref<102498304xi32, #tpu.memory_space<hbm>>
      %dma_start3A_219 = tpu.memref_slice %arg11[%dma_start3A_210] : memref<4x!tpu.dma_semaphore, #tpu.memory_space<semaphore_mem>> -> memref<1x!tpu.dma_semaphore, #tpu.memory_space<semaphore_mem>>
      %dma_start3A_220 = tpu.memref_squeeze %dma_start3A_219 : memref<1x!tpu.dma_semaphore, #tpu.memory_space<semaphore_mem>> -> memref<!tpu.dma_semaphore, #tpu.memory_space<semaphore_mem>>
      tpu.enqueue_indirect_dma source(%dma_start3A_213 : memref<2048xi32, #tpu.memory_space<vmem>>) target(%dma_start3A_218 : memref<102498304xi32, #tpu.memory_space<hbm>>) offsets(%dma_start3A_216 : memref<2048xi32, #tpu.memory_space<vmem>>) semaphore(%dma_start3A_220 : memref<!tpu.dma_semaphore, #tpu.memory_space<semaphore_mem>>)
      %dma_wait3A = arith.constant 0 : i32
      %dma_wait3A_221 = arith.constant 0 : i32
      %dma_wait3A_222 = arith.constant 0 : i32
      %dma_wait3A_223 = arith.constant 0 : i32
      %dma_wait3A_224 = tpu.memref_slice %arg10[%dma_wait3A, %dma_wait3A_223] : memref<1x2048xi32, #tpu.memory_space<vmem>> -> memref<1x2048xi32, #tpu.memory_space<vmem>>
      %dma_wait3A_225 = tpu.memref_squeeze %dma_wait3A_224 : memref<1x2048xi32, #tpu.memory_space<vmem>> -> memref<2048xi32, #tpu.memory_space<vmem>>
      %dma_wait3A_226 = arith.constant 0 : i32
      %dma_wait3A_227 = tpu.memref_slice %arg6[%dma_wait3A_221, %dma_wait3A_226] : memref<1x2048xi32, #tpu.memory_space<vmem>> -> memref<1x2048xi32, #tpu.memory_space<vmem>>
      %dma_wait3A_228 = tpu.memref_squeeze %dma_wait3A_227 : memref<1x2048xi32, #tpu.memory_space<vmem>> -> memref<2048xi32, #tpu.memory_space<vmem>>
      %dma_wait3A_229 = arith.constant 0 : i32
      %dma_wait3A_230 = tpu.memref_slice %arg3[%dma_wait3A_229] : memref<102498304xi32, #tpu.memory_space<hbm>> -> memref<102498304xi32, #tpu.memory_space<hbm>>
      %dma_wait3A_231 = tpu.memref_slice %arg11[%dma_wait3A_222] : memref<4x!tpu.dma_semaphore, #tpu.memory_space<semaphore_mem>> -> memref<1x!tpu.dma_semaphore, #tpu.memory_space<semaphore_mem>>
      %dma_wait3A_232 = tpu.memref_squeeze %dma_wait3A_231 : memref<1x!tpu.dma_semaphore, #tpu.memory_space<semaphore_mem>> -> memref<!tpu.dma_semaphore, #tpu.memory_space<semaphore_mem>>
      tpu.wait_indirect_dma semaphore(%dma_wait3A_232 : memref<!tpu.dma_semaphore, #tpu.memory_space<semaphore_mem>>) src(%dma_wait3A_225 : memref<2048xi32, #tpu.memory_space<vmem>>) dst(%dma_wait3A_230 : memref<102498304xi32, #tpu.memory_space<hbm>>)
      %dma_wait3A_233 = arith.constant 0 : i32
      %dma_wait3A_234 = arith.constant 0 : i32
      %dma_wait3A_235 = arith.constant 1 : i32
      %dma_wait3A_236 = arith.constant 0 : i32
      %dma_wait3A_237 = tpu.memref_slice %arg10[%dma_wait3A_233, %dma_wait3A_236] : memref<1x2048xi32, #tpu.memory_space<vmem>> -> memref<1x2048xi32, #tpu.memory_space<vmem>>
      %dma_wait3A_238 = tpu.memref_squeeze %dma_wait3A_237 : memref<1x2048xi32, #tpu.memory_space<vmem>> -> memref<2048xi32, #tpu.memory_space<vmem>>
      %dma_wait3A_239 = arith.constant 0 : i32
      %dma_wait3A_240 = tpu.memref_slice %arg7[%dma_wait3A_234, %dma_wait3A_239] : memref<1x2048xi32, #tpu.memory_space<vmem>> -> memref<1x2048xi32, #tpu.memory_space<vmem>>
      %dma_wait3A_241 = tpu.memref_squeeze %dma_wait3A_240 : memref<1x2048xi32, #tpu.memory_space<vmem>> -> memref<2048xi32, #tpu.memory_space<vmem>>
      %dma_wait3A_242 = arith.constant 0 : i32
      %dma_wait3A_243 = tpu.memref_slice %arg3[%dma_wait3A_242] : memref<102498304xi32, #tpu.memory_space<hbm>> -> memref<102498304xi32, #tpu.memory_space<hbm>>
      %dma_wait3A_244 = tpu.memref_slice %arg11[%dma_wait3A_235] : memref<4x!tpu.dma_semaphore, #tpu.memory_space<semaphore_mem>> -> memref<1x!tpu.dma_semaphore, #tpu.memory_space<semaphore_mem>>
      %dma_wait3A_245 = tpu.memref_squeeze %dma_wait3A_244 : memref<1x!tpu.dma_semaphore, #tpu.memory_space<semaphore_mem>> -> memref<!tpu.dma_semaphore, #tpu.memory_space<semaphore_mem>>
      tpu.wait_indirect_dma semaphore(%dma_wait3A_245 : memref<!tpu.dma_semaphore, #tpu.memory_space<semaphore_mem>>) src(%dma_wait3A_238 : memref<2048xi32, #tpu.memory_space<vmem>>) dst(%dma_wait3A_243 : memref<102498304xi32, #tpu.memory_space<hbm>>)
      %dma_wait3A_246 = arith.constant 0 : i32
      %dma_wait3A_247 = arith.constant 0 : i32
      %dma_wait3A_248 = arith.constant 2 : i32
      %dma_wait3A_249 = arith.constant 0 : i32
      %dma_wait3A_250 = tpu.memref_slice %arg10[%dma_wait3A_246, %dma_wait3A_249] : memref<1x2048xi32, #tpu.memory_space<vmem>> -> memref<1x2048xi32, #tpu.memory_space<vmem>>
      %dma_wait3A_251 = tpu.memref_squeeze %dma_wait3A_250 : memref<1x2048xi32, #tpu.memory_space<vmem>> -> memref<2048xi32, #tpu.memory_space<vmem>>
      %dma_wait3A_252 = arith.constant 0 : i32
      %dma_wait3A_253 = tpu.memref_slice %arg8[%dma_wait3A_247, %dma_wait3A_252] : memref<1x2048xi32, #tpu.memory_space<vmem>> -> memref<1x2048xi32, #tpu.memory_space<vmem>>
      %dma_wait3A_254 = tpu.memref_squeeze %dma_wait3A_253 : memref<1x2048xi32, #tpu.memory_space<vmem>> -> memref<2048xi32, #tpu.memory_space<vmem>>
      %dma_wait3A_255 = arith.constant 0 : i32
      %dma_wait3A_256 = tpu.memref_slice %arg3[%dma_wait3A_255] : memref<102498304xi32, #tpu.memory_space<hbm>> -> memref<102498304xi32, #tpu.memory_space<hbm>>
      %dma_wait3A_257 = tpu.memref_slice %arg11[%dma_wait3A_248] : memref<4x!tpu.dma_semaphore, #tpu.memory_space<semaphore_mem>> -> memref<1x!tpu.dma_semaphore, #tpu.memory_space<semaphore_mem>>
      %dma_wait3A_258 = tpu.memref_squeeze %dma_wait3A_257 : memref<1x!tpu.dma_semaphore, #tpu.memory_space<semaphore_mem>> -> memref<!tpu.dma_semaphore, #tpu.memory_space<semaphore_mem>>
      tpu.wait_indirect_dma semaphore(%dma_wait3A_258 : memref<!tpu.dma_semaphore, #tpu.memory_space<semaphore_mem>>) src(%dma_wait3A_251 : memref<2048xi32, #tpu.memory_space<vmem>>) dst(%dma_wait3A_256 : memref<102498304xi32, #tpu.memory_space<hbm>>)
      %dma_wait3A_259 = arith.constant 0 : i32
      %dma_wait3A_260 = arith.constant 0 : i32
      %dma_wait3A_261 = arith.constant 3 : i32
      %dma_wait3A_262 = arith.constant 0 : i32
      %dma_wait3A_263 = tpu.memref_slice %arg10[%dma_wait3A_259, %dma_wait3A_262] : memref<1x2048xi32, #tpu.memory_space<vmem>> -> memref<1x2048xi32, #tpu.memory_space<vmem>>
      %dma_wait3A_264 = tpu.memref_squeeze %dma_wait3A_263 : memref<1x2048xi32, #tpu.memory_space<vmem>> -> memref<2048xi32, #tpu.memory_space<vmem>>
      %dma_wait3A_265 = arith.constant 0 : i32
      %dma_wait3A_266 = tpu.memref_slice %arg9[%dma_wait3A_260, %dma_wait3A_265] : memref<1x2048xi32, #tpu.memory_space<vmem>> -> memref<1x2048xi32, #tpu.memory_space<vmem>>
      %dma_wait3A_267 = tpu.memref_squeeze %dma_wait3A_266 : memref<1x2048xi32, #tpu.memory_space<vmem>> -> memref<2048xi32, #tpu.memory_space<vmem>>
      %dma_wait3A_268 = arith.constant 0 : i32
      %dma_wait3A_269 = tpu.memref_slice %arg3[%dma_wait3A_268] : memref<102498304xi32, #tpu.memory_space<hbm>> -> memref<102498304xi32, #tpu.memory_space<hbm>>
      %dma_wait3A_270 = tpu.memref_slice %arg11[%dma_wait3A_261] : memref<4x!tpu.dma_semaphore, #tpu.memory_space<semaphore_mem>> -> memref<1x!tpu.dma_semaphore, #tpu.memory_space<semaphore_mem>>
      %dma_wait3A_271 = tpu.memref_squeeze %dma_wait3A_270 : memref<1x!tpu.dma_semaphore, #tpu.memory_space<semaphore_mem>> -> memref<!tpu.dma_semaphore, #tpu.memory_space<semaphore_mem>>
      tpu.wait_indirect_dma semaphore(%dma_wait3A_271 : memref<!tpu.dma_semaphore, #tpu.memory_space<semaphore_mem>>) src(%dma_wait3A_264 : memref<2048xi32, #tpu.memory_space<vmem>>) dst(%dma_wait3A_269 : memref<102498304xi32, #tpu.memory_space<hbm>>)
    }
    %scan3A_27 = arith.constant 24 : i32
    return
  }
}

module attributes {stable_mosaic.version = 14 : i64} {
  func.func @_expand_body(%arg0: i32, %arg1: memref<1000x1xi32, #tpu.memory_space<vmem>>, %arg2: memref<1000x1xi32, #tpu.memory_space<vmem>>, %arg3: memref<1000x1xi32, #tpu.memory_space<vmem>>, %arg4: memref<1000x1xi32, #tpu.memory_space<vmem>>, %arg5: memref<8x62xi32, #tpu.memory_space<vmem>>, %arg6: memref<8x248xi32, #tpu.memory_space<vmem>>, %arg7: memref<8x248xi32, #tpu.memory_space<vmem>>, %arg8: memref<1000x248xi32, #tpu.memory_space<vmem>>, %arg9: memref<1000x62xi32, #tpu.memory_space<vmem>>) attributes {dimension_semantics = [#tpu.dimension_semantics<arbitrary>], iteration_bounds = array<i64: 50>, scalar_prefetch = 0 : i64, scratch_operands = 0 : i64, tpu.core_type = #tpu.core_type<tc>, window_params = [{transform_indices = @transform_0, window_bounds = array<i64: 1000, 1>}, {transform_indices = @transform_1, window_bounds = array<i64: 1000, 1>}, {transform_indices = @transform_2, window_bounds = array<i64: 1000, 1>}, {transform_indices = @transform_3, window_bounds = array<i64: 1000, 1>}, {pipeline_mode = #tpu.pipeline_mode<synchronous>, transform_indices = @transform_4, window_bounds = array<i64: 8, 62>}, {pipeline_mode = #tpu.pipeline_mode<synchronous>, transform_indices = @transform_5, window_bounds = array<i64: 8, 248>}, {pipeline_mode = #tpu.pipeline_mode<synchronous>, transform_indices = @transform_6, window_bounds = array<i64: 8, 248>}, {transform_indices = @transform_7, window_bounds = array<i64: 1000, 248>}, {transform_indices = @transform_8, window_bounds = array<i64: 1000, 62>}]} {
    %get3A = arith.constant 0 : index
    %get3A_0 = arith.constant 0 : index
    %get3A_1 = vector.load %arg1[%get3A, %get3A_0] : memref<1000x1xi32, #tpu.memory_space<vmem>>, vector<1000x1xi32>
    %get3A_2 = arith.constant 0 : index
    %get3A_3 = arith.constant 0 : index
    %get3A_4 = vector.load %arg2[%get3A_2, %get3A_3] : memref<1000x1xi32, #tpu.memory_space<vmem>>, vector<1000x1xi32>
    %get3A_5 = arith.constant 0 : index
    %get3A_6 = arith.constant 0 : index
    %get3A_7 = vector.load %arg3[%get3A_5, %get3A_6] : memref<1000x1xi32, #tpu.memory_space<vmem>>, vector<1000x1xi32>
    %get3A_8 = arith.constant 0 : index
    %get3A_9 = arith.constant 0 : index
    %get3A_10 = vector.load %arg4[%get3A_8, %get3A_9] : memref<1000x1xi32, #tpu.memory_space<vmem>>, vector<1000x1xi32>
    %mul3A = arith.constant 1000000 : i32
    %mul3A_11 = vector.broadcast %mul3A : i32 to vector<1000x1xi32>
    %mul3A_12 = arith.muli %get3A_1, %mul3A_11 : vector<1000x1xi32>
    %mul3A_13 = arith.constant 10000 : i32
    %mul3A_14 = vector.broadcast %mul3A_13 : i32 to vector<1000x1xi32>
    %mul3A_15 = arith.muli %get3A_4, %mul3A_14 : vector<1000x1xi32>
    %add3A = arith.addi %mul3A_12, %mul3A_15 : vector<1000x1xi32>
    %mul3A_16 = arith.constant 100 : i32
    %mul3A_17 = vector.broadcast %mul3A_16 : i32 to vector<1000x1xi32>
    %mul3A_18 = arith.muli %get3A_7, %mul3A_17 : vector<1000x1xi32>
    %add3A_19 = arith.addi %add3A, %mul3A_18 : vector<1000x1xi32>
    %add3A_20 = arith.addi %add3A_19, %get3A_10 : vector<1000x1xi32>
    %add3A_21 = arith.constant 20202 : i32
    %add3A_22 = vector.broadcast %add3A_21 : i32 to vector<1000x1xi32>
    %add3A_23 = arith.addi %add3A_20, %add3A_22 : vector<1000x1xi32>
    %get3A_24 = arith.constant 0 : index
    %get3A_25 = arith.constant 0 : index
    %get3A_26 = vector.load %arg5[%get3A_24, %get3A_25] : memref<8x62xi32, #tpu.memory_space<vmem>>, vector<1x62xi32>
    %add3A_27 = vector.broadcast %add3A_23 : vector<1000x1xi32> to vector<1000x62xi32>
    %add3A_28 = vector.broadcast %get3A_26 : vector<1x62xi32> to vector<1000x62xi32>
    %add3A_29 = arith.addi %add3A_27, %add3A_28 : vector<1000x62xi32>
    %swap3A = arith.constant 0 : index
    %swap3A_30 = arith.constant 0 : index
    %swap3A_31 = vector.load %arg9[%swap3A, %swap3A_30] : memref<1000x62xi32, #tpu.memory_space<vmem>>, vector<1000x62xi32>
    tpu.vector_store %arg9[%swap3A, %swap3A_30], %add3A_29 {strides = array<i32>} : memref<1000x62xi32, #tpu.memory_space<vmem>>, vector<1000x62xi32>,
    %get3A_32 = arith.constant 0 : index
    %get3A_33 = arith.constant 0 : index
    %get3A_34 = vector.load %arg6[%get3A_32, %get3A_33] : memref<8x248xi32, #tpu.memory_space<vmem>>, vector<1x248xi32>
    %broadcast_in_dim3A = vector.shape_cast %get3A_34 : vector<1x248xi32> to vector<1x248xi32>
    %broadcast_in_dim3A_35 = vector.broadcast %broadcast_in_dim3A : vector<1x248xi32> to vector<1000x248xi32>
    %eq3A = arith.constant 0 : i32
    %eq3A_36 = vector.broadcast %eq3A : i32 to vector<1000x248xi32>
    %eq3A_37 = arith.cmpi eq, %broadcast_in_dim3A_35, %eq3A_36 : vector<1000x248xi32>
    %eq3A_38 = arith.constant 1 : i32
    %eq3A_39 = vector.broadcast %eq3A_38 : i32 to vector<1000x248xi32>
    %eq3A_40 = arith.cmpi eq, %broadcast_in_dim3A_35, %eq3A_39 : vector<1000x248xi32>
    %eq3A_41 = arith.constant 2 : i32
    %eq3A_42 = vector.broadcast %eq3A_41 : i32 to vector<1000x248xi32>
    %eq3A_43 = arith.cmpi eq, %broadcast_in_dim3A_35, %eq3A_42 : vector<1000x248xi32>
    %broadcast_in_dim3A_44 = vector.shape_cast %get3A_7 : vector<1000x1xi32> to vector<1000x1xi32>
    %broadcast_in_dim3A_45 = vector.broadcast %broadcast_in_dim3A_44 : vector<1000x1xi32> to vector<1000x248xi32>
    %broadcast_in_dim3A_46 = vector.shape_cast %get3A_10 : vector<1000x1xi32> to vector<1000x1xi32>
    %broadcast_in_dim3A_47 = vector.broadcast %broadcast_in_dim3A_46 : vector<1000x1xi32> to vector<1000x248xi32>
    %select_n3A = arith.select %eq3A_43, %broadcast_in_dim3A_45, %broadcast_in_dim3A_47 : vector<1000x248xi1>, vector<1000x248xi32>
    %broadcast_in_dim3A_48 = vector.shape_cast %get3A_4 : vector<1000x1xi32> to vector<1000x1xi32>
    %broadcast_in_dim3A_49 = vector.broadcast %broadcast_in_dim3A_48 : vector<1000x1xi32> to vector<1000x248xi32>
    %select_n3A_50 = arith.select %eq3A_40, %broadcast_in_dim3A_49, %select_n3A : vector<1000x248xi1>, vector<1000x248xi32>
    %broadcast_in_dim3A_51 = vector.shape_cast %get3A_1 : vector<1000x1xi32> to vector<1000x1xi32>
    %broadcast_in_dim3A_52 = vector.broadcast %broadcast_in_dim3A_51 : vector<1000x1xi32> to vector<1000x248xi32>
    %select_n3A_53 = arith.select %eq3A_37, %broadcast_in_dim3A_52, %select_n3A_50 : vector<1000x248xi1>, vector<1000x248xi32>
    %get3A_54 = arith.constant 0 : index
    %get3A_55 = arith.constant 0 : index
    %get3A_56 = vector.load %arg7[%get3A_54, %get3A_55] : memref<8x248xi32, #tpu.memory_space<vmem>>, vector<1x248xi32>
    %add3A_57 = vector.broadcast %get3A_56 : vector<1x248xi32> to vector<1000x248xi32>
    %add3A_58 = arith.addi %select_n3A_53, %add3A_57 : vector<1000x248xi32>
    %swap3A_59 = arith.constant 0 : index
    %swap3A_60 = arith.constant 0 : index
    %swap3A_61 = vector.load %arg8[%swap3A_59, %swap3A_60] : memref<1000x248xi32, #tpu.memory_space<vmem>>, vector<1000x248xi32>
    tpu.vector_store %arg8[%swap3A_59, %swap3A_60], %add3A_58 {strides = array<i32>} : memref<1000x248xi32, #tpu.memory_space<vmem>>, vector<1000x248xi32>,
    return
  }
  func.func @transform_0(%arg0: i32) -> (i32, i32) {
    %c0_i32 = arith.constant 0 : i32
    %c0_i32_0 = arith.constant 0 : i32
    return %arg0, %c0_i32 : i32, i32
  }
  func.func @transform_1(%arg0: i32) -> (i32, i32) {
    %c0_i32 = arith.constant 0 : i32
    %c0_i32_0 = arith.constant 0 : i32
    return %arg0, %c0_i32 : i32, i32
  }
  func.func @transform_2(%arg0: i32) -> (i32, i32) {
    %c0_i32 = arith.constant 0 : i32
    %c0_i32_0 = arith.constant 0 : i32
    return %arg0, %c0_i32 : i32, i32
  }
  func.func @transform_3(%arg0: i32) -> (i32, i32) {
    %c0_i32 = arith.constant 0 : i32
    %c0_i32_0 = arith.constant 0 : i32
    return %arg0, %c0_i32 : i32, i32
  }
  func.func @transform_4(%arg0: i32) -> (i32, i32) {
    %c0_i32 = arith.constant 0 : i32
    %c0_i32_0 = arith.constant 0 : i32
    %c0_i32_1 = arith.constant 0 : i32
    return %c0_i32, %c0_i32_0 : i32, i32
  }
  func.func @transform_5(%arg0: i32) -> (i32, i32) {
    %c0_i32 = arith.constant 0 : i32
    %c0_i32_0 = arith.constant 0 : i32
    %c0_i32_1 = arith.constant 0 : i32
    return %c0_i32, %c0_i32_0 : i32, i32
  }
  func.func @transform_6(%arg0: i32) -> (i32, i32) {
    %c0_i32 = arith.constant 0 : i32
    %c0_i32_0 = arith.constant 0 : i32
    %c0_i32_1 = arith.constant 0 : i32
    return %c0_i32, %c0_i32_0 : i32, i32
  }
  func.func @transform_7(%arg0: i32) -> (i32, i32) {
    %c0_i32 = arith.constant 0 : i32
    %c0_i32_0 = arith.constant 0 : i32
    return %arg0, %c0_i32 : i32, i32
  }
  func.func @transform_8(%arg0: i32) -> (i32, i32) {
    %c0_i32 = arith.constant 0 : i32
    %c0_i32_0 = arith.constant 0 : i32
    return %arg0, %c0_i32 : i32, i32
  }
}

module attributes {stable_mosaic.version = 14 : i64} {
  func.func @_pack_body(%arg0: i32, %arg1: memref<139264xi32, #tpu.memory_space<vmem>>, %arg2: memref<32x128xi32, #tpu.memory_space<vmem>>, %arg3: memref<32x128xi32, #tpu.memory_space<vmem>>, %arg4: memref<1xi32, #tpu.memory_space<smem>>) attributes {dimension_semantics = [#tpu.dimension_semantics<arbitrary>], iteration_bounds = array<i64: 736>, scalar_prefetch = 0 : i64, scratch_operands = 1 : i64, tpu.core_type = #tpu.core_type<tc>, window_params = [{transform_indices = @transform_0, window_bounds = array<i64: 139264>}, {transform_indices = @transform_1, window_bounds = array<i64: 32, 128>}, {transform_indices = @transform_2, window_bounds = array<i64: 32, 128>}]} {
    %get3A = arith.constant 0 : index
    %get3A_0 = vector.load %arg1[%get3A] : memref<139264xi32, #tpu.memory_space<vmem>>, vector<139264xi32>
    %reshape3A = vector.shape_cast %get3A_0 : vector<139264xi32> to vector<1088x128xi32>
    %iota3A = tpu.iota {dimensions = array<i32: 0>} : vector<1088x128xi32>
    %jit3A = arith.constant 34 : i32
    %eq3A = arith.constant 0 : i32
    %eq3A_1 = arith.cmpi eq, %jit3A, %eq3A : i32
    %jit3A_2 = arith.constant 1 : i32
    %select_n3A = arith.select %eq3A_1, %jit3A_2, %jit3A : i32
    %rem3A = vector.broadcast %select_n3A : i32 to vector<1088x128xi32>
    %rem3A_3 = arith.remsi %iota3A, %rem3A : vector<1088x128xi32>
    %ne3A = arith.constant 0 : i32
    %ne3A_4 = vector.broadcast %ne3A : i32 to vector<1088x128xi32>
    %ne3A_5 = arith.cmpi ne, %rem3A_3, %ne3A_4 : vector<1088x128xi32>
    %lt3A = arith.constant 0 : i32
    %lt3A_6 = vector.broadcast %lt3A : i32 to vector<1088x128xi32>
    %lt3A_7 = arith.cmpi slt, %rem3A_3, %lt3A_6 : vector<1088x128xi32>
    %lt3A_8 = arith.constant 0 : i32
    %lt3A_9 = arith.cmpi slt, %select_n3A, %lt3A_8 : i32
    %ne3A_10 = vector.broadcast %lt3A_9 : i1 to vector<1088x128xi1>
    %ne3A_11 = vector.broadcast %ne3A_10 : vector<1088x128xi1> to vector<1088x128xi1>
    %ne3A_12 = arith.xori %lt3A_7, %ne3A_11 : vector<1088x128xi1>
    %and3A = arith.andi %ne3A_12, %ne3A_5 : vector<1088x128xi1>
    %add3A = vector.broadcast %select_n3A : i32 to vector<1088x128xi32>
    %add3A_13 = arith.addi %rem3A_3, %add3A : vector<1088x128xi32>
    %select_n3A_14 = arith.select %and3A, %add3A_13, %rem3A_3 : vector<1088x128xi1>, vector<1088x128xi32>
    %lt3A_15 = arith.constant 32 : i32
    %lt3A_16 = vector.broadcast %lt3A_15 : i32 to vector<1088x128xi32>
    %lt3A_17 = arith.cmpi slt, %select_n3A_14, %lt3A_16 : vector<1088x128xi32>
    %ne3A_18 = arith.constant 0 : i32
    %ne3A_19 = vector.broadcast %ne3A_18 : i32 to vector<1088x128xi32>
    %ne3A_20 = arith.cmpi ne, %reshape3A, %ne3A_19 : vector<1088x128xi32>
    %and3A_21 = arith.andi %lt3A_17, %ne3A_20 : vector<1088x128xi1>
    %jit3A_22 = arith.constant 1 : i32
    %jit3A_23 = arith.constant 0 : i32
    %broadcast_in_dim3A = vector.broadcast %jit3A_22 : i32 to vector<1088x128xi32>
    %broadcast_in_dim3A_24 = vector.broadcast %jit3A_23 : i32 to vector<1088x128xi32>
    %select_n3A_25 = arith.select %and3A_21, %broadcast_in_dim3A, %broadcast_in_dim3A_24 : vector<1088x128xi1>, vector<1088x128xi32>
    %jit3A_26 = arith.constant 0 : i32
    %broadcast_in_dim3A_27 = vector.broadcast %jit3A_26 : i32 to vector<1088x128xi32>
    %select_n3A_28 = arith.select %lt3A_17, %select_n3A_14, %broadcast_in_dim3A_27 : vector<1088x128xi1>, vector<1088x128xi32>
    %shift_left3A = arith.shli %select_n3A_25, %select_n3A_28 : vector<1088x128xi32>
    %reshape3A_29 = vector.shape_cast %shift_left3A : vector<1088x128xi32> to vector<32x34x128xi32>
    %reduce_sum3A = arith.constant dense<0> : vector<32x128xi32>
    %reduce_sum3A_30 = vector.multi_reduction <add>, %reshape3A_29, %reduce_sum3A [1] : vector<32x34x128xi32> to vector<32x128xi32>
    %swap3A = arith.constant 0 : index
    %swap3A_31 = arith.constant 0 : index
    %swap3A_32 = vector.load %arg2[%swap3A, %swap3A_31] : memref<32x128xi32, #tpu.memory_space<vmem>>, vector<32x128xi32>
    tpu.vector_store %arg2[%swap3A, %swap3A_31], %reduce_sum3A_30 {strides = array<i32>} : memref<32x128xi32, #tpu.memory_space<vmem>>, vector<32x128xi32>,
    %reshape3A_33 = vector.shape_cast %select_n3A_25 : vector<1088x128xi32> to vector<32x34x128xi32>
    %reduce_sum3A_34 = arith.constant dense<0> : vector<32x128xi32>
    %reduce_sum3A_35 = vector.multi_reduction <add>, %reshape3A_33, %reduce_sum3A_34 [1] : vector<32x34x128xi32> to vector<32x128xi32>
    %broadcast_in_dim3A_36 = arith.constant 0 : i32
    %broadcast_in_dim3A_37 = vector.broadcast %broadcast_in_dim3A_36 : i32 to vector<32x1xi32>
    %slice3A = vector.extract_strided_slice %reduce_sum3A_35 {offsets = [0, 0], sizes = [32, 127], strides = [1, 1]} : vector<32x128xi32> to vector<32x127xi32>
    %concatenate3A = tpu.concatenate %broadcast_in_dim3A_37, %slice3A in 1 : vector<32x1xi32>, vector<32x127xi32> -> vector<32x128xi32>
    %add3A_38 = arith.addi %reduce_sum3A_35, %concatenate3A : vector<32x128xi32>
    %broadcast_in_dim3A_39 = arith.constant 0 : i32
    %broadcast_in_dim3A_40 = vector.broadcast %broadcast_in_dim3A_39 : i32 to vector<32x2xi32>
    %slice3A_41 = vector.extract_strided_slice %add3A_38 {offsets = [0, 0], sizes = [32, 126], strides = [1, 1]} : vector<32x128xi32> to vector<32x126xi32>
    %concatenate3A_42 = tpu.concatenate %broadcast_in_dim3A_40, %slice3A_41 in 1 : vector<32x2xi32>, vector<32x126xi32> -> vector<32x128xi32>
    %add3A_43 = arith.addi %add3A_38, %concatenate3A_42 : vector<32x128xi32>
    %broadcast_in_dim3A_44 = arith.constant 0 : i32
    %broadcast_in_dim3A_45 = vector.broadcast %broadcast_in_dim3A_44 : i32 to vector<32x4xi32>
    %slice3A_46 = vector.extract_strided_slice %add3A_43 {offsets = [0, 0], sizes = [32, 124], strides = [1, 1]} : vector<32x128xi32> to vector<32x124xi32>
    %concatenate3A_47 = tpu.concatenate %broadcast_in_dim3A_45, %slice3A_46 in 1 : vector<32x4xi32>, vector<32x124xi32> -> vector<32x128xi32>
    %add3A_48 = arith.addi %add3A_43, %concatenate3A_47 : vector<32x128xi32>
    %broadcast_in_dim3A_49 = arith.constant 0 : i32
    %broadcast_in_dim3A_50 = vector.broadcast %broadcast_in_dim3A_49 : i32 to vector<32x8xi32>
    %slice3A_51 = vector.extract_strided_slice %add3A_48 {offsets = [0, 0], sizes = [32, 120], strides = [1, 1]} : vector<32x128xi32> to vector<32x120xi32>
    %concatenate3A_52 = tpu.concatenate %broadcast_in_dim3A_50, %slice3A_51 in 1 : vector<32x8xi32>, vector<32x120xi32> -> vector<32x128xi32>
    %add3A_53 = arith.addi %add3A_48, %concatenate3A_52 : vector<32x128xi32>
    %broadcast_in_dim3A_54 = arith.constant 0 : i32
    %broadcast_in_dim3A_55 = vector.broadcast %broadcast_in_dim3A_54 : i32 to vector<32x16xi32>
    %slice3A_56 = vector.extract_strided_slice %add3A_53 {offsets = [0, 0], sizes = [32, 112], strides = [1, 1]} : vector<32x128xi32> to vector<32x112xi32>
    %concatenate3A_57 = tpu.concatenate %broadcast_in_dim3A_55, %slice3A_56 in 1 : vector<32x16xi32>, vector<32x112xi32> -> vector<32x128xi32>
    %add3A_58 = arith.addi %add3A_53, %concatenate3A_57 : vector<32x128xi32>
    %broadcast_in_dim3A_59 = arith.constant 0 : i32
    %broadcast_in_dim3A_60 = vector.broadcast %broadcast_in_dim3A_59 : i32 to vector<32x32xi32>
    %slice3A_61 = vector.extract_strided_slice %add3A_58 {offsets = [0, 0], sizes = [32, 96], strides = [1, 1]} : vector<32x128xi32> to vector<32x96xi32>
    %concatenate3A_62 = tpu.concatenate %broadcast_in_dim3A_60, %slice3A_61 in 1 : vector<32x32xi32>, vector<32x96xi32> -> vector<32x128xi32>
    %add3A_63 = arith.addi %add3A_58, %concatenate3A_62 : vector<32x128xi32>
    %broadcast_in_dim3A_64 = arith.constant 0 : i32
    %broadcast_in_dim3A_65 = vector.broadcast %broadcast_in_dim3A_64 : i32 to vector<32x64xi32>
    %slice3A_66 = vector.extract_strided_slice %add3A_63 {offsets = [0, 0], sizes = [32, 64], strides = [1, 1]} : vector<32x128xi32> to vector<32x64xi32>
    %concatenate3A_67 = tpu.concatenate %broadcast_in_dim3A_65, %slice3A_66 in 1 : vector<32x64xi32>, vector<32x64xi32> -> vector<32x128xi32>
    %add3A_68 = arith.addi %add3A_63, %concatenate3A_67 : vector<32x128xi32>
    %sub3A = arith.subi %add3A_68, %reduce_sum3A_35 : vector<32x128xi32>
    %slice3A_69 = vector.extract_strided_slice %add3A_68 {offsets = [0, 127], sizes = [32, 1], strides = [1, 1]} : vector<32x128xi32> to vector<32x1xi32>
    %broadcast_in_dim3A_70 = arith.constant 0 : i32
    %broadcast_in_dim3A_71 = vector.broadcast %broadcast_in_dim3A_70 : i32 to vector<1x1xi32>
    %slice3A_72 = vector.extract_strided_slice %slice3A_69 {offsets = [0, 0], sizes = [31, 1], strides = [1, 1]} : vector<32x1xi32> to vector<31x1xi32>
    %concatenate3A_73 = tpu.concatenate %broadcast_in_dim3A_71, %slice3A_72 in 0 : vector<1x1xi32>, vector<31x1xi32> -> vector<32x1xi32>
    %add3A_74 = arith.addi %slice3A_69, %concatenate3A_73 : vector<32x1xi32>
    %broadcast_in_dim3A_75 = arith.constant 0 : i32
    %broadcast_in_dim3A_76 = vector.broadcast %broadcast_in_dim3A_75 : i32 to vector<2x1xi32>
    %slice3A_77 = vector.extract_strided_slice %add3A_74 {offsets = [0, 0], sizes = [30, 1], strides = [1, 1]} : vector<32x1xi32> to vector<30x1xi32>
    %concatenate3A_78 = tpu.concatenate %broadcast_in_dim3A_76, %slice3A_77 in 0 : vector<2x1xi32>, vector<30x1xi32> -> vector<32x1xi32>
    %add3A_79 = arith.addi %add3A_74, %concatenate3A_78 : vector<32x1xi32>
    %broadcast_in_dim3A_80 = arith.constant 0 : i32
    %broadcast_in_dim3A_81 = vector.broadcast %broadcast_in_dim3A_80 : i32 to vector<4x1xi32>
    %slice3A_82 = vector.extract_strided_slice %add3A_79 {offsets = [0, 0], sizes = [28, 1], strides = [1, 1]} : vector<32x1xi32> to vector<28x1xi32>
    %concatenate3A_83 = tpu.concatenate %broadcast_in_dim3A_81, %slice3A_82 in 0 : vector<4x1xi32>, vector<28x1xi32> -> vector<32x1xi32>
    %add3A_84 = arith.addi %add3A_79, %concatenate3A_83 : vector<32x1xi32>
    %broadcast_in_dim3A_85 = arith.constant 0 : i32
    %broadcast_in_dim3A_86 = vector.broadcast %broadcast_in_dim3A_85 : i32 to vector<8x1xi32>
    %slice3A_87 = vector.extract_strided_slice %add3A_84 {offsets = [0, 0], sizes = [24, 1], strides = [1, 1]} : vector<32x1xi32> to vector<24x1xi32>
    %concatenate3A_88 = tpu.concatenate %broadcast_in_dim3A_86, %slice3A_87 in 0 : vector<8x1xi32>, vector<24x1xi32> -> vector<32x1xi32>
    %add3A_89 = arith.addi %add3A_84, %concatenate3A_88 : vector<32x1xi32>
    %broadcast_in_dim3A_90 = arith.constant 0 : i32
    %broadcast_in_dim3A_91 = vector.broadcast %broadcast_in_dim3A_90 : i32 to vector<16x1xi32>
    %slice3A_92 = vector.extract_strided_slice %add3A_89 {offsets = [0, 0], sizes = [16, 1], strides = [1, 1]} : vector<32x1xi32> to vector<16x1xi32>
    %concatenate3A_93 = tpu.concatenate %broadcast_in_dim3A_91, %slice3A_92 in 0 : vector<16x1xi32>, vector<16x1xi32> -> vector<32x1xi32>
    %add3A_94 = arith.addi %add3A_89, %concatenate3A_93 : vector<32x1xi32>
    %sub3A_95 = arith.subi %add3A_94, %slice3A_69 : vector<32x1xi32>
    %eq3A_96 = arith.constant 0 : i32
    %eq3A_97 = arith.cmpi eq, %arg0, %eq3A_96 : i32
    %get3A_98 = arith.constant 0 : index
    %get3A_99 = memref.load %arg4[%get3A_98] : memref<1xi32, #tpu.memory_space<smem>>
    %jit3A_100 = arith.constant 0 : i32
    %select_n3A_101 = arith.select %eq3A_97, %jit3A_100, %get3A_99 : i32
    %add3A_102 = vector.broadcast %select_n3A_101 : i32 to vector<32x1xi32>
    %add3A_103 = arith.addi %add3A_102, %sub3A_95 : vector<32x1xi32>
    %add3A_104 = vector.broadcast %add3A_103 : vector<32x1xi32> to vector<32x128xi32>
    %add3A_105 = arith.addi %add3A_104, %sub3A : vector<32x128xi32>
    %swap3A_106 = arith.constant 0 : index
    %swap3A_107 = arith.constant 0 : index
    %swap3A_108 = vector.load %arg3[%swap3A_106, %swap3A_107] : memref<32x128xi32, #tpu.memory_space<vmem>>, vector<32x128xi32>
    tpu.vector_store %arg3[%swap3A_106, %swap3A_107], %add3A_105 {strides = array<i32>} : memref<32x128xi32, #tpu.memory_space<vmem>>, vector<32x128xi32>,
    %reduce_sum3A_109 = vector.shape_cast %reduce_sum3A_35 : vector<32x128xi32> to vector<1x32x128xi32>
    %reduce_sum3A_110 = arith.constant dense<0> : vector<1xi32>
    %reduce_sum3A_111 = vector.multi_reduction <add>, %reduce_sum3A_109, %reduce_sum3A_110 [1, 2] : vector<1x32x128xi32> to vector<1xi32>
    %reduce_sum3A_112 = vector.shape_cast %reduce_sum3A_111 : vector<1xi32> to vector<1x1x1xi32>
    %reduce_sum3A_113 = vector.extract %reduce_sum3A_112[0, 0, 0] : i32 from vector<1x1x1xi32>
    %add3A_114 = arith.addi %select_n3A_101, %reduce_sum3A_113 : i32
    %swap3A_115 = arith.constant 0 : index
    %swap3A_116 = memref.load %arg4[%swap3A_115] : memref<1xi32, #tpu.memory_space<smem>>
    memref.store %add3A_114, %arg4[%swap3A_115] : memref<1xi32, #tpu.memory_space<smem>>
    return
  }
  func.func @transform_0(%arg0: i32) -> i32 {
    %c0_i32 = arith.constant 0 : i32
    return %arg0 : i32
  }
  func.func @transform_1(%arg0: i32) -> (i32, i32) {
    %c0_i32 = arith.constant 0 : i32
    %c0_i32_0 = arith.constant 0 : i32
    return %arg0, %c0_i32 : i32, i32
  }
  func.func @transform_2(%arg0: i32) -> (i32, i32) {
    %c0_i32 = arith.constant 0 : i32
    %c0_i32_0 = arith.constant 0 : i32
    return %arg0, %c0_i32 : i32, i32
  }
}

</mosaic_0001>

<sc_bundles>
// kernel: kernel.6.cloned.1.call-start
scs
__scs_entry_jumppad:
0x0: {  	(pc) =	sbr.rel $0x88, $3  }
0x1: {  	(tag) =	ssettag $0x0;
	lr =	simm.s32 $0x1  }
0x2: {  	[smem:$0x3FA0] =	sst lr;
	_ =	strace $0xD0000000  }
0x3: {  	_ = 	snop  }
0x4: {  	_ = 	snop  }
0x5: {  	_ = 	snop  }
0x6: {  	_ = 	snop  }
0x7: {  	_ = 	snop  }
__scs_overlays_trampoline_lowered:
0x8: {  	[smem:$0x3FAF] =	sst s0  }
0x9: {  	[smem:$0x3FB0] =	sst s1  }
0xa: {  	[smem:$0x3FB1] =	sst s2  }
0xb: {  	[smem:$0x3FB2] =	sst s3  }
0xc: {  	[smem:$0x3FB3] =	sst s4  }
0xd: {  	[smem:$0x3FB4] =	sst s5  }
0xe: {  	[smem:$0x3FB5] =	sst s6  }
0xf: {  	[smem:$0x3FB6] =	sst s7  }
0x10: {  	[smem:$0x3FB7] =	sst s8  }
0x11: {  	[smem:$0x3FB8] =	sst s9;
	s0 =	simm.s32 @!p0 $0x0  }
0x12: {  	s1 =	sld [smem:$0x3F9E];
	s0 =	simm.s32 @p0 $0x1  }
0x13: {  	[smem:$0x3FB9] =	sst s0;
	s0 =	simm.s32 @!p1 $0x0  }
0x14: {  	s2 =	sld [smem:$0x3F9D];
	s0 =	simm.s32 @p1 $0x1  }
0x15: {  	[smem:$0x3FBA] =	sst s0;
	s0 =	simm.s32 @!p2 $0x0  }
0x16: {  	s3 =	sld [smem:$0x3FDB];
	s0 =	simm.s32 @p2 $0x1  }
0x17: {  	s4 =	simm.s32 $0x1BF5;
	[smem:$0x3FBC] =	sst s0  }
0x18: {  	s0 =	sld [smem:$0x3F9F];
	_ =	swait.ge [sflag:s4], $0x0  }
0x19: {  	s7 =	sld [smem:$0x3FA0]  }
0x1a: {  	s8 =	sadd.s32 $0xFFFFE003, lr  }
0x1b: {  	s9 =	sadd.s32 $0xFFFFFEF7, lr;
	s5 =	simm.s32 $0xFFFFFFFF;
	p2 =	slt.u32 s8, $0xFFFFF086  }
0x1c: {  	p1 =	slt.u32 s9, $0xF7A;
	s5 =	simm.s32 @!p2 $0x0  }
0x1d: {  	s5 =	simm.s32 @p1 $0x1;
	p0 =	seq.s32 s7, s2  }
0x1e: {  	s7 =	smul.u32 @!p0 $0xF7A, s2;
	p2 =	seq.s32 @!p0 s5, $0x0  }
0x1f: {  	s9 =	smul.u32 $0xF7A, s1;
	s8 =	simm.s32 @!p0 $0x1BF5;
	p2 =	por !p2, p0  }
0x20: {  	[sflag:s8] =	ssyncset.s32 @!p0 $0xFFFFF086;
	s6 =	sadd.s32 @!p0 s3, s7;
	s7 =	simm.s32 @!p0 $0x108  }
0x21: {  	s3 =	sadd.s32 s3, s9;
	s6 =	sadd.s32 @!p0 $0x88, s6;
	s7 =	simm.s32 @p2 $0x1082  }
0x22: {  	[simem:s7], [sflag:s8] =	dma.local @!p0 [hbm:s6], $0xF7A  }
0x23: {  	s9 =	sor.u32 $0xD0000000, s2;
	s6 =	simm.s32 $0x108;
	_ =	swait.ge @!p0 [sflag:s8], $0x0  }
0x24: {  	s3 =	sadd.s32 $0x88, s3;
	s6 =	simm.s32 @!p1 $0x1082;
	[sflag:s4] =	ssyncset.s32 $0xFFFFF086  }
0x25: {  	[simem:s6], [sflag:s4] =	dma.local [hbm:s3], $0xF7A  }
0x26: {  	[smem:$0x3FA0] =	sst s1;
	(tag) =	ssettag s2;
	_ =	strace s9  }
0x27: {  	s1 =	sld [smem:$0x3FB0]  }
0x28: {  	s2 =	sld [smem:$0x3FB1]  }
0x29: {  	s4 =	sld [smem:$0x3FB3]  }
0x2a: {  	p0 =	seq.s32 s5, $0x0;
	s5 =	sld [smem:$0x3FB4]  }
0x2b: {  	s6 =	sld [smem:$0x3FB5]  }
0x2c: {  	s7 =	sld [smem:$0x3FB6]  }
0x2d: {  	s3 =	simm.s32 $0x108;
	s8 =	sld [smem:$0x3FB7]  }
0x2e: {  	s3 =	simm.s32 @!p0 $0x1082;
	s9 =	sld [smem:$0x3FB8]  }
0x2f: {  	lr =	sadd.s32 s0, s3;
	s0 =	sld [smem:$0x3FAF]  }
0x30: {  	s3 =	sld [smem:$0x3FB2]  }
0x31: {  	[smem:$0x3FBB] =	sst s10  }
0x32: {  	s10 =	sld [smem:$0x3FB9];
	_ =	sdelay $0x3  }
0x33: {  	p0 =	seq.s32 s10, $0x1;
	s10 =	sld [smem:$0x3FBB];
	_ =	sdelay $0x3  }
0x34: {  	[smem:$0x3FBB] =	sst s10  }
0x35: {  	s10 =	sld [smem:$0x3FBA];
	_ =	sdelay $0x3  }
0x36: {  	p1 =	seq.s32 s10, $0x1;
	s10 =	sld [smem:$0x3FBB];
	_ =	sdelay $0x3  }
0x37: {  	[smem:$0x3FBB] =	sst s10  }
0x38: {  	s10 =	sld [smem:$0x3FBC]  }
0x39: {  	_ = 	snop;
	(pc) =	sbr.ind lr, $3  }
0x3a: {  	_ = 	snop  }
0x3b: {  	_ = 	snop  }
0x3c: {  	p2 =	seq.s32 s10, $0x1;
	s10 =	sld [smem:$0x3FBB]  }
0x3d: {  	_ =	shalt  }
0x3e: {  	_ =	shalt  }
0x3f: {  	_ =	shalt  }
0x40: {  	_ =	shalt  }
0x41: {  	_ =	shalt  }
0x42: {  	_ =	shalt  }
0x43: {  	_ =	shalt  }
0x44: {  	_ =	shalt  }
0x45: {  	_ =	shalt  }
0x46: {  	_ =	shalt  }
0x47: {  	_ =	shalt  }
0x48: {  	_ =	shalt  }
0x49: {  	_ =	shalt  }
0x4a: {  	_ =	shalt  }
0x4b: {  	_ =	shalt  }
0x4c: {  	_ =	shalt  }
0x4d: {  	_ =	shalt  }
0x4e: {  	_ =	shalt  }
0x4f: {  	_ =	shalt  }
0x50: {  	_ =	shalt  }
0x51: {  	_ =	shalt  }
0x52: {  	_ =	shalt  }
0x53: {  	_ =	shalt  }
0x54: {  	_ =	shalt  }
0x55: {  	_ =	shalt  }
0x56: {  	_ =	shalt  }
0x57: {  	_ =	shalt  }
0x58: {  	_ =	shalt  }
0x59: {  	_ =	shalt  }
0x5a: {  	_ =	shalt  }
0x5b: {  	_ =	shalt  }
0x5c: {  	_ =	shalt  }
0x5d: {  	_ =	shalt  }
0x5e: {  	_ =	shalt  }
0x5f: {  	_ =	shalt  }
0x60: {  	_ =	shalt  }
0x61: {  	_ =	shalt  }
0x62: {  	_ =	shalt  }
0x63: {  	_ =	shalt  }
0x64: {  	_ =	shalt  }
0x65: {  	_ =	shalt  }
0x66: {  	_ =	shalt  }
0x67: {  	_ =	shalt  }
0x68: {  	_ =	shalt  }
0x69: {  	_ =	shalt  }
0x6a: {  	_ =	shalt  }
0x6b: {  	_ =	shalt  }
0x6c: {  	_ =	shalt  }
0x6d: {  	_ =	shalt  }
0x6e: {  	_ =	shalt  }
0x6f: {  	_ =	shalt  }
0x70: {  	_ =	shalt  }
0x71: {  	_ =	shalt  }
0x72: {  	_ =	shalt  }
0x73: {  	_ =	shalt  }
0x74: {  	_ =	shalt  }
0x75: {  	_ =	shalt  }
0x76: {  	_ =	shalt  }
0x77: {  	_ =	shalt  }
0x78: {  	_ =	shalt  }
0x79: {  	_ =	shalt  }
0x7a: {  	_ =	shalt  }
0x7b: {  	_ =	shalt  }
0x7c: {  	_ =	shalt  }
0x7d: {  	_ =	shalt  }
0x7e: {  	_ =	shalt  }
0x7f: {  	_ =	shalt  }
0x80: {  	_ =	shalt  }
0x81: {  	_ =	shalt  }
0x82: {  	_ =	shalt  }
0x83: {  	_ =	shalt  }
0x84: {  	_ =	shalt  }
0x85: {  	_ =	shalt  }
0x86: {  	_ =	shalt  }
0x87: {  	_ =	shalt  }
.Lfunc_end0:
.L_simem_size_0:
called_computation.1_lowered:
.L_overlay_start_0:
0x88: {  	s2 =	sld [smem:$0x3FD9]  }
0x89: {  	s3 =	sld [smem:$0x3FFE];
	_ =	sdelay $0x1  }
0x8a: {  	s1 =	srdreg.scid  }
0x8b: {  	s0 =	sand.u32 $0x1, s1  }
0x8c: {  	s14 =	sshll.u32 s0, $0xA;
	s2 =	sadd.s32 s3, s2  }
0x8d: {  	s2 =	sadd.s32 s2, s14  }
0x8e: {  	[smem:$0x3FC7] =	sst s2  }
0x8f: {  	_ = 	snop  }
0x90: {  	s2 =	sld [smem:$0x3FD0];
	_ =	sdelay $0x2  }
0x91: {  	s15 =	simm.s32 $0xB;
	s4 =	simm.s32 $0x10  }
0x92: {  	[smem:s4], [sflag:s15] =	dma.local [hbm:s2], $0x1  }
0x93: {  	_ =	swait.eq [sflag:s15], $0x1  }
0x94: {  	[sflag:s15] =	ssyncset.done $0x0  }
0x95: {  	[sflag:s15] =	ssyncadd.s32 $0xFFFFFFFF  }
0x96: {  	s16 =	sld [smem:$0x12];
	(tm) =	ssettm $0x1  }
0x97: {  	s17 =	sld [smem:$0x3FFB];
	_ =	sdelay $0x3  }
0x98: {  	_ =	strace s17  }
0x99: {  	s3 =	sld [smem:$0x3FFC];
	_ =	sdelay $0x3  }
0x9a: {  	_ =	strace s3  }
0x9b: {  	s3 =	sld [smem:$0x3FFD];
	_ =	sdelay $0x3  }
0x9c: {  	_ =	strace s3  }
0x9d: {  	_ =	strace $0x8FFFFFFF  }
0x9e: {  	s18 =	sld [smem:$0x3FDB];
	_ =	sdelay $0x1  }
0x9f: {  	s19 =	simm.s32 $_scs_section_size  }
0xa0: {  	s5 =	simm.s32 $_size__tile_overlayer_lowered;
	s6 =	simm.s32 $_tile_overlayer_lowered  }
0xa1: {  	s22 =	simm.s32 $0x1BFF;
	s21 =	sshll.u32 s6, $0x1;
	s3 =	sadd.s32 s19, s18  }
0xa2: {  	s7 =	simm.s32 $0x0;
	s20 =	sshll.u32 s5, $0x1;
	s5 =	sadd.s32 s21, s3  }
0xa3: {  	[timem:s7], [sflag:s22] =	dma.local [hbm:s5], s20  }
0xa4: {  	_ =	swait.ge [sflag:s22], s20  }
0xa5: {  	s4 =	ssub.s32 $0x0, s20;
	[sflag:s22] =	ssyncset.done $0x0  }
0xa6: {  	[sflag:s22] =	ssyncadd.s32 s4;
	_ =	sdelay $0x1  }
0xa7: {  	s23 =	simm.s32 $0x1B8B  }
0xa8: {  	_ =	swait.ge [sflag:s23], $0x1  }
0xa9: {  	[sflag:s23] =	ssyncset.done $0x0  }
0xaa: {  	s25 =	simm.s32 $0x1B8E;
	s24 =	sld [smem:$0x3FFE];
	[sflag:s23] =	ssyncadd.s32 $0xFFFFFFFF  }
0xab: {  	s26 =	simm.s32 $execute0_lowered;
	[smem:$0x3FD2] =	sst s25  }
0xac: {  	s5 =	sshll.u32 s26, $0x1;
	_ =	strace $0x80000046;
	[dreg:$0x1] =	wrdreg $0xFFFFFFFF  }
0xad: {  	s28 =	simm.s32 $_size_execute0_lowered;
	s3 =	sadd.s32 s3, s5;
	[dreg:$0x0] =	wrdreg $0x0  }
0xae: {  	s5 =	sshll.u32 s28, $0x1;
	[dreg:$0x2] =	wrdreg s3  }
0xaf: {  	[dreg:$0x3] =	wrdreg s5  }
0xb0: {  	[dreg:$0x4] =	wrdreg $0xC0  }
0xb1: {  	_ =	task [dreg:s7], $0x5FFFF  }
0xb2: {  	[dreg:$0x1] =	wrdreg $0xFFFFFFFF  }
0xb3: {  	[dreg:$0x0] =	wrdreg $0x60  }
0xb4: {  	[dreg:$0x2] =	wrdreg s16  }
0xb5: {  	[dreg:$0x3] =	wrdreg s24  }
0xb6: {  	[dreg:$0x4] =	wrdreg $0x9  }
0xb7: {  	_ =	task.clear_ibuf [dreg:s7], $0x5FFFF;
	_ =	strace $0x90000046  }
0xb8: {  	s29 =	simm.s32 $0x9;
	_ =	strace $0x80000048  }
0xb9: {  	_ =	swait.ge [sflag:s29], $0x1  }
0xba: {  	[sflag:s29] =	ssyncadd.s32 $0xFFFFFFFF  }
0xbb: {  	_ =	strace $0x90000048  }
0xbc: {  	_ =	sfence  }
0xbd: {  	s30 =	sld [smem:$0x0];
	_ =	sdelay $0x2  }
0xbe: {  	s31 =	sshll.u32 s1, $0xD;
	s1 =	sshrl.u32 s1, $0x2  }
0xbf: {  	s3 =	sand.u32 $0x4000, s31;
	s1 =	sadd.s32 s1, s30  }
0xc0: {  	s0 =	sor.u32 s3, s0;
	s1 =	sshll.u32 s1, $0x11  }
0xc1: {  	s0 =	sor.u32 s1, s0  }
0xc2: {  	s0 =	sadd.s32 $0x8F2B, s0  }
0xc3: {  	[sflag:s0] =	ssyncadd.remote.s32 $0x1  }
0xc4: {  	_ =	sfence.sel $0xFFFF  }
0xc5: {  	[dreg:$0x0] =	wrdreg $0xFFFFFFFF;
	(pc) =	sbr.abs _section_cstart, $3  }
0xc6: {  	[dreg:$0x1] =	wrdreg $0xFFFFFFFF  }
0xc7: {  	_ =	task.clear_ibuf [dreg:s7], $0x2FFFF;
	_ =	strace $0x9FFFFFFF  }
0xc8: {  	(tm) =	ssettm $0x7FFFFFFF  }
0xc9: {  	_ =	shalt  }
tec
execute0_lowered:
.L_overlay_start_1:
0x0: {  	(tag) =	ssettag $0x1  }
0x1: {  	s1 =	rddreg [dreg:$0x0]  }
0x2: {  	s4 =	rddreg [dreg:$0x1];
	s3 =	simm.s32 $0x0;
	s2 =	srdreg.scid  }
0x3: {  	s12 =	simm.s32 $0x2800;
	s14 =	simm.s32 $0x3000;
	s15 =	simm.s32 $0x3800  }
0x4: {  	s16 =	simm.s32 $0x4000;
	s17 =	simm.s32 $0x1;
	s18 =	simm.s32 $0x2  }
0x5: {  	s19 =	simm.s32 $0x3;
	s20 =	simm.s32 $0x4;
	s8 =	sand.u32 $0x1, s2  }
0x6: {  	s21 =	simm.s32 $0x0;
	s2 =	stileid.u32;
	s7 =	smul.u32 $0x30E0000, s8  }
0x7: {  	[smem:$0x7FF] =	sst s3;
	s4 =	sadd.s32 $0x30F600, s4;
	s9 =	smul.u32 $0x30E000, s2  }
0x8: {  	_ =	strace $0x80000047;
	s10 =	ssub.s32 $0x2, s8;
	s5 =	smul.u32 $0x30000, s2  }
0x9: {  	s6 =	smul.u32 $0x60, s2;
	s13 =	sxor.u32 $0x1, s8;
	s11 =	sshrl.u32 s10, $0x1  }
0xa: {  	v0 =	vmov s13;
	s13 =	simm.s32 $0x4800;
	s9 =	sadd.s32 s9, s7;
	s10 =	ssub.s32 s10, s11  }
0xb: {  	v2 =	vimm.s32 $0x0;
	s7 =	smul.u32 $0x2E00, s8;
	s11 =	simm.s32 $0x800;
	s9 =	sshrl.u32 s9, $0x3  }
0xc: {  	v3 =	vimm.s32 $0x1;
	v4 =	vlaneseq.u32;
	v1 =	vxor.u32 $0x1, v0;
	s8 =	smax.u32 s10, $0x1;
	s10 =	simm.s32 $0x5;
	s9 =	sadd.s32 s9, s4  }
.LBB2_1:
0xd: {  	s22 =	simm.s32 $0x40;
	s23 =	simm.s32 $0x0  }
.LBB2_2:
0xe: {  	p0 =	sne.s32 s22, $0x7FC0;
	[tilespmem:s23+$0x0] =	vst v2;
	s23 =	smov.u32 s22;
	s22 =	sadd.s32 $0x40, s22  }
.Ltmp0:
0xf: {  	(pc) =	sbr.rel @p0 .LBB2_2-.Ltmp0, $2  }
0x10: {  	_ =	sdelay $0x2  }
0x11: {  	s23 =	sshra.s32 s23, $0x2  }
0x12: {  	[tilespmem:s23+$0x0] =	vst v2;
	s22 =	simm.s32 $0x40;
	s23 =	simm.s32 $0x0  }
.LBB2_4:
0x13: {  	p0 =	sne.s32 s22, $0x1FC0;
	[tilespmem:s23+$0x4800] =	vst v3;
	s23 =	smov.u32 s22;
	s22 =	sadd.s32 $0x40, s22  }
.Ltmp1:
0x14: {  	(pc) =	sbr.rel @p0 .LBB2_4-.Ltmp1, $2  }
0x15: {  	_ =	sdelay $0x2  }
0x16: {  	s23 =	sshra.s32 s23, $0x2  }
0x17: {  	[tilespmem:s23+$0x4800] =	vst v3;
	s22 =	sadd.s32 $0x0, s9  }
0x18: {  	[hbm4b:s22+s3] =	stream.linear.scatter [tilespmem:s3], [sflag:$0x5], $0x2000, $0x38;
	[tilespmem:$0x5000] =	vst v63  }
0x19: {  	_ =	swait.ge [sflag:s10], $0x2000  }
0x1a: {  	s22 =	simm.s32 $0x400;
	[sflag:s10] =	ssyncset.done $0x0  }
.LBB2_6:
0x1b: {  	s23 =	sadd.s32 s22, s9;
	[sflag:s10] =	ssyncadd.s32 $0xFFFFE000;
	p0 =	sne.s32 s22, $0x61800  }
0x1c: {  	[hbm4b:s23+s3] =	stream.linear.scatter [tilespmem:s3], [sflag:$0x5], $0x2000, $0x38;
	[tilespmem:$0x5000] =	vst v63  }
.Ltmp2:
0x1d: {  	_ = 	snop;
	(pc) =	sbr.rel @p0 .LBB2_6-.Ltmp2, $4  }
0x1e: {  	_ = 	snop  }
0x1f: {  	s22 =	sadd.s32 $0x400, s22  }
0x20: {  	_ =	swait.ge [sflag:s10], $0x2000  }
0x21: {  	[sflag:s10] =	ssyncset.done $0x0  }
0x22: {  	[sflag:s10] =	ssyncadd.s32 $0xFFFFE000  }
0x23: {  	s22 =	simm.s32 $0x0;
	s23 =	simm.s32 $0x0;
	[bflag:$0x0] =	sbarrier.arrive $0xFFFF  }
.LBB2_8:
0x24: {  	s24 =	sshll.u32 s23, $0x2;
	s25 =	sshll.u32 s23, $0xD  }
0x25: {  	s25 =	sadd.s32 s5, s25;
	s26 =	sadd.s32 s6, s24  }
0x26: {  	s25 =	sshrl.u32 s25, $0x3;
	s26 =	sshll.u32 s26, $0x3  }
0x27: {  	s28 =	simm.s32 $0x2000;
	s25 =	sadd.s32 s1, s25;
	s29 =	smulhi.u32 $0x591AA075, s26  }
0x28: {  	[tilespmem:s28], [sflag:$0x5] =	stream.linear.gather [hbm4b:s25+s22], $0x800, $0x38;
	[tilespmem:$0x5000] =	vst v63  }
0x29: {  	_ =	swait.ge [sflag:s10], $0x800  }
0x2a: {  	s0 =	sshrl.u32 s29, $0xC;
	[sflag:s10] =	ssyncset.done $0x0  }
0x2b: {  	s25 =	smul.u32 $0x2DF8, s0;
	[sflag:s10] =	ssyncadd.s32 $0xFFFFF800  }
0x2c: {  	v5 =	vld [tilespmem:s28+$0x0]  }
0x2d: {  	s25 =	ssub.s32 s26, s25  }
0x2e: {  	s0 =	sand.u32 $0x7, s22;
	s25 =	sadd.s32 s7, s25  }
0x2f: {  	s26 =	sor.u32 s25, s0  }
0x30: {  	s26 =	smul.u32 $0x1100, s26  }
0x31: {  	s28 =	sand.u32 $0xF0, s22;
	v6 =	vshra.s32 v5, $0xC  }
0x32: {  	s26 =	sor.u32 s28, s26;
	v8 =	vshll.u32 v5, $0x7;
	v5 =	vshrl.u32 v5, $0x5;
	v7 =	vmul.u32 $0x1100, v6  }
0x33: {  	s26 =	sadd.s32 $0x1000, s26;
	v8 =	vand.u32 $0xF80, v8;
	vm0 =	vgt.s32 v6, $0x2DFF;
	v5 =	vand.u32 $0x7F, v5  }
0x34: {  	v9 =	vor.u32 s26, v4;
	v6 =	vadd.s32 v8, v7;
	v7 =	vsel vm0, $0x1, v2  }
0x35: {  	v5 =	vor.u32 v5, v6;
	v6 =	vxor.u32 v7, v0;
	v7 =	vxor.u32 v7, v1  }
0x36: {  	v5 =	vmul.u32 v5, v6;
	v6 =	vmul.u32 v9, v7;
	_ =	sdelay $0x1  }
0x37: {  	s26 =	simm.s32 $0x2800;
	v5 =	vadd.s32 v5, v6  }
0x38: {  	s29 =	simm.s32 $0x1;
	s28 =	simm.s32 $0x2010;
	[tilespmem:s26+$0x0] =	vst v5  }
0x39: {  	s30 =	simm.s32 $0x2;
	s31 =	sand.u32 $0x7, s29;
	s29 =	simm.s32 $0x0;
	v5 =	vld [tilespmem:s28+$0x0]  }
.LBB2_9:
0x3a: {  	p0 =	sne.s32 s30, $0x7F;
	s31 =	sor.u32 s25, s31  }
0x3b: {  	s29 =	sadd.s32 $0x2, s29;
	s31 =	smul.u32 $0x1100, s31  }
0x3c: {  	s0 =	sand.u32 $0xF0, s29  }
0x3d: {  	s0 =	sor.u32 s0, s31  }
0x3e: {  	v6 =	vshra.s32 v5, $0xC;
	s0 =	sadd.s32 $0x1000, s0  }
0x3f: {  	v8 =	vshll.u32 v5, $0x7;
	v7 =	vmul.u32 $0x1100, v6;
	v9 =	vor.u32 s0, v4  }
0x40: {  	v5 =	vshrl.u32 v5, $0x5;
	v8 =	vand.u32 $0xF80, v8;
	vm0 =	vgt.s32 v6, $0x2DFF  }
0x41: {  	v5 =	vand.u32 $0x7F, v5;
	v6 =	vadd.s32 v8, v7;
	v7 =	vsel vm0, $0x1, v2  }
0x42: {  	v5 =	vor.u32 v5, v6;
	v6 =	vxor.u32 v7, v0;
	v7 =	vxor.u32 v7, v1  }
.Ltmp3:
0x43: {  	v5 =	vmul.u32 v5, v6;
	v6 =	vmul.u32 v9, v7;
	(pc) =	sbr.rel @p0 .LBB2_9-.Ltmp3, $4  }
0x44: {  	_ = 	snop  }
0x45: {  	s26 =	sadd.s32 $0x10, s26;
	v5 =	vadd.s32 v5, v6  }
0x46: {  	s28 =	sadd.s32 $0x10, s28;
	[tilespmem:s26+$0x0] =	vst v5  }
0x47: {  	s31 =	sand.u32 $0x7, s30;
	s30 =	sadd.s32 $0x1, s30;
	v5 =	vld [tilespmem:s28+$0x0]  }
0x48: {  	_ = 	snop  }
0x49: {  	s0 =	sor.u32 s25, s31  }
0x4a: {  	s25 =	sadd.s32 $0x2, s29;
	s0 =	smul.u32 $0x1100, s0  }
0x4b: {  	s25 =	sand.u32 $0xF0, s25  }
0x4c: {  	s0 =	sor.u32 s25, s0;
	v6 =	vshra.s32 v5, $0xC  }
0x4d: {  	s0 =	sadd.s32 $0x1000, s0;
	v8 =	vshll.u32 v5, $0x7;
	v5 =	vshrl.u32 v5, $0x5;
	v7 =	vmul.u32 $0x1100, v6  }
0x4e: {  	v9 =	vor.u32 s0, v4;
	v8 =	vand.u32 $0xF80, v8;
	vm0 =	vgt.s32 v6, $0x2DFF  }
0x4f: {  	v5 =	vand.u32 $0x7F, v5;
	v6 =	vadd.s32 v8, v7;
	v7 =	vsel vm0, $0x1, v2  }
0x50: {  	v5 =	vor.u32 v5, v6;
	v6 =	vxor.u32 v7, v0;
	v7 =	vxor.u32 v7, v1  }
0x51: {  	v5 =	vmul.u32 v5, v6;
	v6 =	vmul.u32 v9, v7  }
0x52: {  	s0 =	sor.u32 $0x1, s24  }
0x53: {  	s25 =	sadd.s32 $0x10, s26;
	s26 =	sshll.u32 s0, $0xB;
	v5 =	vadd.s32 v5, v6  }
0x54: {  	s0 =	sadd.s32 s6, s0;
	[tilespmem:s25+$0x0] =	vst v5;
	s25 =	sadd.s32 s5, s26  }
0x55: {  	[hbm4b:s4+s11] =	stream.indirect.scatter [tilespmem:s13], [sflag:$0x1], $0x1, s12, s11, $0xb8;
	[tilespmem:$0x5000] =	vst v63  }
0x56: {  	s28 =	simm.s32 $0x2000;
	s0 =	sshll.u32 s0, $0x3;
	s25 =	sshrl.u32 s25, $0x3  }
0x57: {  	s29 =	smulhi.u32 $0x591AA075, s0;
	s26 =	sadd.s32 s1, s25;
	s25 =	simm.s32 $0x0  }
0x58: {  	[tilespmem:s28], [sflag:$0x5] =	stream.linear.gather [hbm4b:s26+s25], $0x800, $0x38;
	[tilespmem:$0x5000] =	vst v63  }
0x59: {  	s26 =	sshrl.u32 s29, $0xC;
	_ =	swait.ge [sflag:s10], $0x800  }
0x5a: {  	s26 =	smul.u32 $0x2DF8, s26;
	[sflag:s10] =	ssyncset.done $0x0  }
0x5b: {  	[sflag:s10] =	ssyncadd.s32 $0xFFFFF800  }
0x5c: {  	s0 =	ssub.s32 s0, s26;
	v5 =	vld [tilespmem:s28+$0x0]  }
0x5d: {  	s26 =	sadd.s32 s7, s0;
	s0 =	sand.u32 $0x7, s25  }
0x5e: {  	s0 =	sor.u32 s26, s0  }
0x5f: {  	s0 =	smul.u32 $0x1100, s0  }
0x60: {  	s28 =	sand.u32 $0xF0, s25  }
0x61: {  	s0 =	sor.u32 s28, s0;
	v6 =	vshra.s32 v5, $0xC  }
0x62: {  	s0 =	sadd.s32 $0x1000, s0;
	v62 =	vshll.u32 v5, $0x7;
	v5 =	vshrl.u32 v5, $0x5;
	v7 =	vmul.u32 $0x1100, v6  }
0x63: {  	v63 =	vor.u32 s0, v4;
	v8 =	vand.u32 $0xF80, v62;
	vm15 =	vgt.s32 v6, $0x2DFF  }
0x64: {  	v5 =	vand.u32 $0x7F, v5;
	v6 =	vadd.s32 v8, v7;
	v7 =	vsel vm15, $0x1, v2  }
0x65: {  	v5 =	vor.u32 v5, v6;
	v6 =	vxor.u32 v7, v0;
	v7 =	vxor.u32 v7, v1  }
0x66: {  	v5 =	vmul.u32 v5, v6;
	v6 =	vmul.u32 v63, v7;
	_ =	sdelay $0x1  }
0x67: {  	s28 =	simm.s32 $0x3000;
	v5 =	vadd.s32 v5, v6  }
0x68: {  	s29 =	simm.s32 $0x2010;
	s0 =	simm.s32 $0x1;
	[tilespmem:s28+$0x0] =	vst v5  }
0x69: {  	s30 =	simm.s32 $0x2;
	s31 =	sand.u32 $0x7, s0;
	v5 =	vld [tilespmem:s29+$0x0]  }
.LBB2_11:
0x6a: {  	p0 =	sne.s32 s30, $0x7F;
	s0 =	sor.u32 s26, s31  }
0x6b: {  	s25 =	sadd.s32 $0x2, s25;
	s0 =	smul.u32 $0x1100, s0  }
0x6c: {  	s31 =	sand.u32 $0xF0, s25  }
0x6d: {  	s0 =	sor.u32 s31, s0  }
0x6e: {  	v6 =	vshra.s32 v5, $0xC;
	s0 =	sadd.s32 $0x1000, s0  }
0x6f: {  	v8 =	vshll.u32 v5, $0x7;
	v7 =	vmul.u32 $0x1100, v6;
	v9 =	vor.u32 s0, v4  }
0x70: {  	v5 =	vshrl.u32 v5, $0x5;
	v8 =	vand.u32 $0xF80, v8;
	vm0 =	vgt.s32 v6, $0x2DFF  }
0x71: {  	v5 =	vand.u32 $0x7F, v5;
	v6 =	vadd.s32 v8, v7;
	v7 =	vsel vm0, $0x1, v2  }
0x72: {  	v5 =	vor.u32 v5, v6;
	v6 =	vxor.u32 v7, v0;
	v7 =	vxor.u32 v7, v1  }
.Ltmp4:
0x73: {  	v5 =	vmul.u32 v5, v6;
	v6 =	vmul.u32 v9, v7;
	(pc) =	sbr.rel @p0 .LBB2_11-.Ltmp4, $4  }
0x74: {  	_ = 	snop  }
0x75: {  	s28 =	sadd.s32 $0x10, s28;
	v5 =	vadd.s32 v5, v6  }
0x76: {  	s29 =	sadd.s32 $0x10, s29;
	[tilespmem:s28+$0x0] =	vst v5  }
0x77: {  	s31 =	sand.u32 $0x7, s30;
	s30 =	sadd.s32 $0x1, s30;
	v5 =	vld [tilespmem:s29+$0x0]  }
0x78: {  	_ = 	snop  }
0x79: {  	s0 =	sor.u32 s26, s31  }
0x7a: {  	s25 =	sadd.s32 $0x2, s25;
	s0 =	smul.u32 $0x1100, s0  }
0x7b: {  	s25 =	sand.u32 $0xF0, s25  }
0x7c: {  	s0 =	sor.u32 s25, s0;
	v6 =	vshra.s32 v5, $0xC  }
0x7d: {  	s0 =	sadd.s32 $0x1000, s0;
	v8 =	vshll.u32 v5, $0x7;
	v5 =	vshrl.u32 v5, $0x5;
	v7 =	vmul.u32 $0x1100, v6  }
0x7e: {  	v9 =	vor.u32 s0, v4;
	v8 =	vand.u32 $0xF80, v8;
	vm0 =	vgt.s32 v6, $0x2DFF  }
0x7f: {  	v5 =	vand.u32 $0x7F, v5;
	v6 =	vadd.s32 v8, v7;
	v7 =	vsel vm0, $0x1, v2  }
0x80: {  	v5 =	vor.u32 v5, v6;
	v6 =	vxor.u32 v7, v0;
	v7 =	vxor.u32 v7, v1  }
0x81: {  	v5 =	vmul.u32 v5, v6;
	v6 =	vmul.u32 v9, v7  }
0x82: {  	s0 =	sor.u32 $0x2, s24  }
0x83: {  	s25 =	sadd.s32 $0x10, s28;
	s26 =	sshll.u32 s0, $0xB;
	v5 =	vadd.s32 v5, v6  }
0x84: {  	s0 =	sadd.s32 s6, s0;
	[tilespmem:s25+$0x0] =	vst v5;
	s25 =	sadd.s32 s5, s26  }
0x85: {  	[hbm4b:s4+s11] =	stream.indirect.scatter [tilespmem:s13], [sflag:$0x2], $0x1, s14, s11, $0xb8;
	[tilespmem:$0x5000] =	vst v63  }
0x86: {  	s28 =	simm.s32 $0x2000;
	s0 =	sshll.u32 s0, $0x3;
	s25 =	sshrl.u32 s25, $0x3  }
0x87: {  	s29 =	smulhi.u32 $0x591AA075, s0;
	s26 =	sadd.s32 s1, s25;
	s25 =	simm.s32 $0x0  }
0x88: {  	[tilespmem:s28], [sflag:$0x5] =	stream.linear.gather [hbm4b:s26+s25], $0x800, $0x38;
	[tilespmem:$0x5000] =	vst v63  }
0x89: {  	s26 =	sshrl.u32 s29, $0xC;
	_ =	swait.ge [sflag:s10], $0x800  }
0x8a: {  	s26 =	smul.u32 $0x2DF8, s26;
	[sflag:s10] =	ssyncset.done $0x0  }
0x8b: {  	[sflag:s10] =	ssyncadd.s32 $0xFFFFF800  }
0x8c: {  	s0 =	ssub.s32 s0, s26;
	v5 =	vld [tilespmem:s28+$0x0]  }
0x8d: {  	s26 =	sadd.s32 s7, s0;
	s0 =	sand.u32 $0x7, s25  }
0x8e: {  	s0 =	sor.u32 s26, s0  }
0x8f: {  	s0 =	smul.u32 $0x1100, s0  }
0x90: {  	s28 =	sand.u32 $0xF0, s25  }
0x91: {  	s0 =	sor.u32 s28, s0;
	v6 =	vshra.s32 v5, $0xC  }
0x92: {  	s0 =	sadd.s32 $0x1000, s0;
	v62 =	vshll.u32 v5, $0x7;
	v5 =	vshrl.u32 v5, $0x5;
	v7 =	vmul.u32 $0x1100, v6  }
0x93: {  	v63 =	vor.u32 s0, v4;
	v8 =	vand.u32 $0xF80, v62;
	vm15 =	vgt.s32 v6, $0x2DFF  }
0x94: {  	v5 =	vand.u32 $0x7F, v5;
	v6 =	vadd.s32 v8, v7;
	v7 =	vsel vm15, $0x1, v2  }
0x95: {  	v5 =	vor.u32 v5, v6;
	v6 =	vxor.u32 v7, v0;
	v7 =	vxor.u32 v7, v1  }
0x96: {  	v5 =	vmul.u32 v5, v6;
	v6 =	vmul.u32 v63, v7;
	_ =	sdelay $0x1  }
0x97: {  	s28 =	simm.s32 $0x3800;
	v5 =	vadd.s32 v5, v6  }
0x98: {  	s29 =	simm.s32 $0x2010;
	s0 =	simm.s32 $0x1;
	[tilespmem:s28+$0x0] =	vst v5  }
0x99: {  	s30 =	simm.s32 $0x2;
	s31 =	sand.u32 $0x7, s0;
	v5 =	vld [tilespmem:s29+$0x0]  }
.LBB2_13:
0x9a: {  	p0 =	sne.s32 s30, $0x7F;
	s0 =	sor.u32 s26, s31  }
0x9b: {  	s25 =	sadd.s32 $0x2, s25;
	s0 =	smul.u32 $0x1100, s0  }
0x9c: {  	s31 =	sand.u32 $0xF0, s25  }
0x9d: {  	s0 =	sor.u32 s31, s0  }
0x9e: {  	v6 =	vshra.s32 v5, $0xC;
	s0 =	sadd.s32 $0x1000, s0  }
0x9f: {  	v8 =	vshll.u32 v5, $0x7;
	v7 =	vmul.u32 $0x1100, v6;
	v9 =	vor.u32 s0, v4  }
0xa0: {  	v5 =	vshrl.u32 v5, $0x5;
	v8 =	vand.u32 $0xF80, v8;
	vm0 =	vgt.s32 v6, $0x2DFF  }
0xa1: {  	v5 =	vand.u32 $0x7F, v5;
	v6 =	vadd.s32 v8, v7;
	v7 =	vsel vm0, $0x1, v2  }
0xa2: {  	v5 =	vor.u32 v5, v6;
	v6 =	vxor.u32 v7, v0;
	v7 =	vxor.u32 v7, v1  }
.Ltmp5:
0xa3: {  	v5 =	vmul.u32 v5, v6;
	v6 =	vmul.u32 v9, v7;
	(pc) =	sbr.rel @p0 .LBB2_13-.Ltmp5, $4  }
0xa4: {  	_ = 	snop  }
0xa5: {  	s28 =	sadd.s32 $0x10, s28;
	v5 =	vadd.s32 v5, v6  }
0xa6: {  	s29 =	sadd.s32 $0x10, s29;
	[tilespmem:s28+$0x0] =	vst v5  }
0xa7: {  	s31 =	sand.u32 $0x7, s30;
	s30 =	sadd.s32 $0x1, s30;
	v5 =	vld [tilespmem:s29+$0x0]  }
0xa8: {  	_ = 	snop  }
0xa9: {  	s0 =	sor.u32 s26, s31  }
0xaa: {  	s25 =	sadd.s32 $0x2, s25;
	s0 =	smul.u32 $0x1100, s0  }
0xab: {  	s25 =	sand.u32 $0xF0, s25  }
0xac: {  	s0 =	sor.u32 s25, s0;
	v6 =	vshra.s32 v5, $0xC  }
0xad: {  	s0 =	sadd.s32 $0x1000, s0;
	v8 =	vshll.u32 v5, $0x7;
	v5 =	vshrl.u32 v5, $0x5;
	v7 =	vmul.u32 $0x1100, v6  }
0xae: {  	v9 =	vor.u32 s0, v4;
	v8 =	vand.u32 $0xF80, v8;
	vm0 =	vgt.s32 v6, $0x2DFF  }
0xaf: {  	v5 =	vand.u32 $0x7F, v5;
	v6 =	vadd.s32 v8, v7;
	v7 =	vsel vm0, $0x1, v2  }
0xb0: {  	s26 =	sor.u32 $0x3, s24;
	v5 =	vor.u32 v5, v6;
	v6 =	vxor.u32 v7, v0;
	v7 =	vxor.u32 v7, v1  }
0xb1: {  	s24 =	sshll.u32 s26, $0xB;
	v5 =	vmul.u32 v5, v6;
	v6 =	vmul.u32 v9, v7  }
0xb2: {  	s24 =	sadd.s32 s5, s24  }
0xb3: {  	s25 =	sadd.s32 $0x10, s28;
	s24 =	sshrl.u32 s24, $0x3;
	s0 =	sadd.s32 s6, s26;
	v5 =	vadd.s32 v5, v6  }
0xb4: {  	s31 =	sadd.s32 s1, s24;
	s0 =	sshll.u32 s0, $0x3;
	[tilespmem:s25+$0x0] =	vst v5  }
0xb5: {  	[hbm4b:s4+s11] =	stream.indirect.scatter [tilespmem:s13], [sflag:$0x3], $0x1, s15, s11, $0xb8;
	[tilespmem:$0x5000] =	vst v63  }
0xb6: {  	s24 =	simm.s32 $0x0;
	s26 =	simm.s32 $0x2000;
	s28 =	smulhi.u32 $0x591AA075, s0  }
0xb7: {  	[tilespmem:s26], [sflag:$0x5] =	stream.linear.gather [hbm4b:s31+s24], $0x800, $0x38;
	[tilespmem:$0x5000] =	vst v63  }
0xb8: {  	s31 =	sshrl.u32 s28, $0xC;
	_ =	swait.ge [sflag:s10], $0x800  }
0xb9: {  	s25 =	smul.u32 $0x2DF8, s31;
	[sflag:s10] =	ssyncset.done $0x0  }
0xba: {  	[sflag:s10] =	ssyncadd.s32 $0xFFFFF800  }
0xbb: {  	s0 =	ssub.s32 s0, s25;
	v5 =	vld [tilespmem:s26+$0x0]  }
0xbc: {  	s25 =	sadd.s32 s7, s0;
	s26 =	sand.u32 $0x7, s24  }
0xbd: {  	s0 =	sor.u32 s25, s26  }
0xbe: {  	s0 =	smul.u32 $0x1100, s0  }
0xbf: {  	s31 =	sand.u32 $0xF0, s24  }
0xc0: {  	s0 =	sor.u32 s31, s0;
	v6 =	vshra.s32 v5, $0xC  }
0xc1: {  	s0 =	sadd.s32 $0x1000, s0;
	v62 =	vshll.u32 v5, $0x7;
	v5 =	vshrl.u32 v5, $0x5;
	v7 =	vmul.u32 $0x1100, v6  }
0xc2: {  	v63 =	vor.u32 s0, v4;
	v8 =	vand.u32 $0xF80, v62;
	vm15 =	vgt.s32 v6, $0x2DFF  }
0xc3: {  	v5 =	vand.u32 $0x7F, v5;
	v6 =	vadd.s32 v8, v7;
	v7 =	vsel vm15, $0x1, v2  }
0xc4: {  	v5 =	vor.u32 v5, v6;
	v6 =	vxor.u32 v7, v0;
	v7 =	vxor.u32 v7, v1  }
0xc5: {  	v5 =	vmul.u32 v5, v6;
	v6 =	vmul.u32 v63, v7;
	_ =	sdelay $0x1  }
0xc6: {  	s26 =	simm.s32 $0x4000;
	v5 =	vadd.s32 v5, v6  }
0xc7: {  	s28 =	simm.s32 $0x2010;
	s31 =	simm.s32 $0x1;
	[tilespmem:s26+$0x0] =	vst v5  }
0xc8: {  	s29 =	simm.s32 $0x2;
	s30 =	sand.u32 $0x7, s31;
	v5 =	vld [tilespmem:s28+$0x0]  }
.LBB2_15:
0xc9: {  	p0 =	sne.s32 s29, $0x7F;
	s0 =	sor.u32 s25, s30  }
0xca: {  	s24 =	sadd.s32 $0x2, s24;
	s0 =	smul.u32 $0x1100, s0  }
0xcb: {  	s30 =	sand.u32 $0xF0, s24  }
0xcc: {  	s0 =	sor.u32 s30, s0  }
0xcd: {  	v6 =	vshra.s32 v5, $0xC;
	s0 =	sadd.s32 $0x1000, s0  }
0xce: {  	v8 =	vshll.u32 v5, $0x7;
	v7 =	vmul.u32 $0x1100, v6;
	v9 =	vor.u32 s0, v4  }
0xcf: {  	v5 =	vshrl.u32 v5, $0x5;
	v8 =	vand.u32 $0xF80, v8;
	vm0 =	vgt.s32 v6, $0x2DFF  }
0xd0: {  	v5 =	vand.u32 $0x7F, v5;
	v6 =	vadd.s32 v8, v7;
	v7 =	vsel vm0, $0x1, v2  }
0xd1: {  	v5 =	vor.u32 v5, v6;
	v6 =	vxor.u32 v7, v0;
	v7 =	vxor.u32 v7, v1  }
.Ltmp6:
0xd2: {  	v5 =	vmul.u32 v5, v6;
	v6 =	vmul.u32 v9, v7;
	(pc) =	sbr.rel @p0 .LBB2_15-.Ltmp6, $4  }
0xd3: {  	_ = 	snop  }
0xd4: {  	s26 =	sadd.s32 $0x10, s26;
	v5 =	vadd.s32 v5, v6  }
0xd5: {  	s28 =	sadd.s32 $0x10, s28;
	[tilespmem:s26+$0x0] =	vst v5  }
0xd6: {  	s30 =	sand.u32 $0x7, s29;
	s29 =	sadd.s32 $0x1, s29;
	v5 =	vld [tilespmem:s28+$0x0]  }
0xd7: {  	_ = 	snop  }
0xd8: {  	s0 =	sor.u32 s25, s30  }
0xd9: {  	s24 =	sadd.s32 $0x2, s24;
	s0 =	smul.u32 $0x1100, s0  }
0xda: {  	s24 =	sand.u32 $0xF0, s24  }
0xdb: {  	s0 =	sor.u32 s24, s0;
	v6 =	vshra.s32 v5, $0xC  }
0xdc: {  	s0 =	sadd.s32 $0x1000, s0;
	v8 =	vshll.u32 v5, $0x7;
	v5 =	vshrl.u32 v5, $0x5;
	v7 =	vmul.u32 $0x1100, v6  }
0xdd: {  	v9 =	vor.u32 s0, v4;
	v8 =	vand.u32 $0xF80, v8;
	vm0 =	vgt.s32 v6, $0x2DFF  }
0xde: {  	v5 =	vand.u32 $0x7F, v5;
	v6 =	vadd.s32 v8, v7;
	v7 =	vsel vm0, $0x1, v2  }
0xdf: {  	v5 =	vor.u32 v5, v6;
	v6 =	vxor.u32 v7, v0;
	v7 =	vxor.u32 v7, v1  }
0xe0: {  	v5 =	vmul.u32 v5, v6;
	v6 =	vmul.u32 v9, v7;
	_ =	sdelay $0x1  }
0xe1: {  	s31 =	sadd.s32 $0x10, s26;
	v5 =	vadd.s32 v5, v6  }
0xe2: {  	[tilespmem:s31+$0x0] =	vst v5  }
0xe3: {  	[hbm4b:s4+s11] =	stream.indirect.scatter [tilespmem:s13], [sflag:$0x4], $0x1, s16, s11, $0xb8;
	[tilespmem:$0x5000] =	vst v63  }
0xe4: {  	_ =	swait.ge [sflag:s17], $0x800  }
0xe5: {  	[sflag:s17] =	ssyncset.done $0x0  }
0xe6: {  	[sflag:s17] =	ssyncadd.s32 $0xFFFFF800  }
0xe7: {  	_ =	swait.ge [sflag:s18], $0x800  }
0xe8: {  	[sflag:s18] =	ssyncset.done $0x0  }
0xe9: {  	s23 =	sadd.s32 $0x1, s23;
	[sflag:s18] =	ssyncadd.s32 $0xFFFFF800  }
0xea: {  	p0 =	sne.s32 s23, $0x18;
	_ =	swait.ge [sflag:s19], $0x800  }
.Ltmp7:
0xeb: {  	[sflag:s19] =	ssyncset.done $0x0;
	(pc) =	sbr.rel @p0 .LBB2_8-.Ltmp7, $4  }
0xec: {  	[sflag:s19] =	ssyncadd.s32 $0xFFFFF800  }
0xed: {  	_ =	swait.ge [sflag:s20], $0x800  }
0xee: {  	[sflag:s20] =	ssyncset.done $0x0  }
0xef: {  	[sflag:s20] =	ssyncadd.s32 $0xFFFFF800  }
0xf0: {  	s21 =	sadd.s32 $0x1, s21  }
0xf1: {  	p0 =	sne.s32 s21, s8  }
.Ltmp8:
0xf2: {  	_ = 	snop;
	(pc) =	sbr.rel @p0 .LBB2_1-.Ltmp8, $1  }
0xf3: {  	_ =	sdelay $0x3  }
0xf4: {  	_ =	sfence.sel $0x180000  }
0xf5: {  	[bflag:$0x0] =	sbarrier.arrive $0xFFFF  }
0xf6: {  	_ =	strace $0x90000047  }
0xf7: {  	[bflag:$0x2] =	sbarrier.arrive $0xFFFF  }
0xf8: {  	p0 =	sne.s32 s2, $0x0;
	s0 =	rddreg [dreg:$0x2]  }
0xf9: {  	s0 =	sadd.s32 @!p0 $0x100000, s0  }
0xfa: {  	[sflag:s0] =	ssyncadd.tile.s32 @!p0 $0x1;
	_ =	shalt  }
.Lfunc_end2:
_tile_overlayer_lowered:
.L_overlay_start_2:
0xfb: {  	(tag) =	ssettag $0x2  }
0xfc: {  	s0 =	rddreg [dreg:$0x0];
	s2 =	stileid.u32  }
0xfd: {  	s1 =	rddreg [dreg:$0x1];
	p0 =	sne.s32 s2, $0x0  }
0xfe: {  	s3 =	rddreg [dreg:$0x2];
	[bflag:$0x3] =	sbarrier.arrive $0xFFFF;
	s2 =	simm.s32 @!p0 $0x1C05  }
0xff: {  	[timem:s3], [sflag:s2] =	dma.local @!p0 [hbm:s0], s1  }
0x100: {  	s0 =	simm.s32 @!p0 $0x5  }
0x101: {  	_ =	swait.ge @!p0 [sflag:s0], s1  }
0x102: {  	s1 =	ssub.s32 @!p0 $0x0, s1;
	[sflag:s0] =	ssyncset.done @!p0 $0x0  }
0x103: {  	[sflag:s0] =	ssyncadd.s32 @!p0 s1  }
0x104: {  	[bflag:$0x3] =	sbarrier.arrive $0xFFFF  }
0x105: {  	_ =	shalt  }

// kernel: kernel.9.cloned.1.call-start
scs
__scs_entry_jumppad:
0x0: {  	(pc) =	sbr.rel $0x88, $3  }
0x1: {  	(tag) =	ssettag $0x0;
	lr =	simm.s32 $0x1  }
0x2: {  	[smem:$0x3FA0] =	sst lr;
	_ =	strace $0xD0000000  }
0x3: {  	_ = 	snop  }
0x4: {  	_ = 	snop  }
0x5: {  	_ = 	snop  }
0x6: {  	_ = 	snop  }
0x7: {  	_ = 	snop  }
__scs_overlays_trampoline_lowered:
0x8: {  	[smem:$0x3FAF] =	sst s0  }
0x9: {  	[smem:$0x3FB0] =	sst s1  }
0xa: {  	[smem:$0x3FB1] =	sst s2  }
0xb: {  	[smem:$0x3FB2] =	sst s3  }
0xc: {  	[smem:$0x3FB3] =	sst s4  }
0xd: {  	[smem:$0x3FB4] =	sst s5  }
0xe: {  	[smem:$0x3FB5] =	sst s6  }
0xf: {  	[smem:$0x3FB6] =	sst s7  }
0x10: {  	[smem:$0x3FB7] =	sst s8  }
0x11: {  	[smem:$0x3FB8] =	sst s9;
	s0 =	simm.s32 @!p0 $0x0  }
0x12: {  	s1 =	sld [smem:$0x3F9E];
	s0 =	simm.s32 @p0 $0x1  }
0x13: {  	[smem:$0x3FB9] =	sst s0;
	s0 =	simm.s32 @!p1 $0x0  }
0x14: {  	s2 =	sld [smem:$0x3F9D];
	s0 =	simm.s32 @p1 $0x1  }
0x15: {  	[smem:$0x3FBA] =	sst s0;
	s0 =	simm.s32 @!p2 $0x0  }
0x16: {  	s3 =	sld [smem:$0x3FDB];
	s0 =	simm.s32 @p2 $0x1  }
0x17: {  	s4 =	simm.s32 $0x1BF5;
	[smem:$0x3FBC] =	sst s0  }
0x18: {  	s0 =	sld [smem:$0x3F9F];
	_ =	swait.ge [sflag:s4], $0x0  }
0x19: {  	s7 =	sld [smem:$0x3FA0]  }
0x1a: {  	s8 =	sadd.s32 $0xFFFFE003, lr  }
0x1b: {  	s9 =	sadd.s32 $0xFFFFFEF7, lr;
	s5 =	simm.s32 $0xFFFFFFFF;
	p2 =	slt.u32 s8, $0xFFFFF086  }
0x1c: {  	p1 =	slt.u32 s9, $0xF7A;
	s5 =	simm.s32 @!p2 $0x0  }
0x1d: {  	s5 =	simm.s32 @p1 $0x1;
	p0 =	seq.s32 s7, s2  }
0x1e: {  	s7 =	smul.u32 @!p0 $0xF7A, s2;
	p2 =	seq.s32 @!p0 s5, $0x0  }
0x1f: {  	s9 =	smul.u32 $0xF7A, s1;
	s8 =	simm.s32 @!p0 $0x1BF5;
	p2 =	por !p2, p0  }
0x20: {  	[sflag:s8] =	ssyncset.s32 @!p0 $0xFFFFF086;
	s6 =	sadd.s32 @!p0 s3, s7;
	s7 =	simm.s32 @!p0 $0x108  }
0x21: {  	s3 =	sadd.s32 s3, s9;
	s6 =	sadd.s32 @!p0 $0x88, s6;
	s7 =	simm.s32 @p2 $0x1082  }
0x22: {  	[simem:s7], [sflag:s8] =	dma.local @!p0 [hbm:s6], $0xF7A  }
0x23: {  	s9 =	sor.u32 $0xD0000000, s2;
	s6 =	simm.s32 $0x108;
	_ =	swait.ge @!p0 [sflag:s8], $0x0  }
0x24: {  	s3 =	sadd.s32 $0x88, s3;
	s6 =	simm.s32 @!p1 $0x1082;
	[sflag:s4] =	ssyncset.s32 $0xFFFFF086  }
0x25: {  	[simem:s6], [sflag:s4] =	dma.local [hbm:s3], $0xF7A  }
0x26: {  	[smem:$0x3FA0] =	sst s1;
	(tag) =	ssettag s2;
	_ =	strace s9  }
0x27: {  	s1 =	sld [smem:$0x3FB0]  }
0x28: {  	s2 =	sld [smem:$0x3FB1]  }
0x29: {  	s4 =	sld [smem:$0x3FB3]  }
0x2a: {  	p0 =	seq.s32 s5, $0x0;
	s5 =	sld [smem:$0x3FB4]  }
0x2b: {  	s6 =	sld [smem:$0x3FB5]  }
0x2c: {  	s7 =	sld [smem:$0x3FB6]  }
0x2d: {  	s3 =	simm.s32 $0x108;
	s8 =	sld [smem:$0x3FB7]  }
0x2e: {  	s3 =	simm.s32 @!p0 $0x1082;
	s9 =	sld [smem:$0x3FB8]  }
0x2f: {  	lr =	sadd.s32 s0, s3;
	s0 =	sld [smem:$0x3FAF]  }
0x30: {  	s3 =	sld [smem:$0x3FB2]  }
0x31: {  	[smem:$0x3FBB] =	sst s10  }
0x32: {  	s10 =	sld [smem:$0x3FB9];
	_ =	sdelay $0x3  }
0x33: {  	p0 =	seq.s32 s10, $0x1;
	s10 =	sld [smem:$0x3FBB];
	_ =	sdelay $0x3  }
0x34: {  	[smem:$0x3FBB] =	sst s10  }
0x35: {  	s10 =	sld [smem:$0x3FBA];
	_ =	sdelay $0x3  }
0x36: {  	p1 =	seq.s32 s10, $0x1;
	s10 =	sld [smem:$0x3FBB];
	_ =	sdelay $0x3  }
0x37: {  	[smem:$0x3FBB] =	sst s10  }
0x38: {  	s10 =	sld [smem:$0x3FBC]  }
0x39: {  	_ = 	snop;
	(pc) =	sbr.ind lr, $3  }
0x3a: {  	_ = 	snop  }
0x3b: {  	_ = 	snop  }
0x3c: {  	p2 =	seq.s32 s10, $0x1;
	s10 =	sld [smem:$0x3FBB]  }
0x3d: {  	_ =	shalt  }
0x3e: {  	_ =	shalt  }
0x3f: {  	_ =	shalt  }
0x40: {  	_ =	shalt  }
0x41: {  	_ =	shalt  }
0x42: {  	_ =	shalt  }
0x43: {  	_ =	shalt  }
0x44: {  	_ =	shalt  }
0x45: {  	_ =	shalt  }
0x46: {  	_ =	shalt  }
0x47: {  	_ =	shalt  }
0x48: {  	_ =	shalt  }
0x49: {  	_ =	shalt  }
0x4a: {  	_ =	shalt  }
0x4b: {  	_ =	shalt  }
0x4c: {  	_ =	shalt  }
0x4d: {  	_ =	shalt  }
0x4e: {  	_ =	shalt  }
0x4f: {  	_ =	shalt  }
0x50: {  	_ =	shalt  }
0x51: {  	_ =	shalt  }
0x52: {  	_ =	shalt  }
0x53: {  	_ =	shalt  }
0x54: {  	_ =	shalt  }
0x55: {  	_ =	shalt  }
0x56: {  	_ =	shalt  }
0x57: {  	_ =	shalt  }
0x58: {  	_ =	shalt  }
0x59: {  	_ =	shalt  }
0x5a: {  	_ =	shalt  }
0x5b: {  	_ =	shalt  }
0x5c: {  	_ =	shalt  }
0x5d: {  	_ =	shalt  }
0x5e: {  	_ =	shalt  }
0x5f: {  	_ =	shalt  }
0x60: {  	_ =	shalt  }
0x61: {  	_ =	shalt  }
0x62: {  	_ =	shalt  }
0x63: {  	_ =	shalt  }
0x64: {  	_ =	shalt  }
0x65: {  	_ =	shalt  }
0x66: {  	_ =	shalt  }
0x67: {  	_ =	shalt  }
0x68: {  	_ =	shalt  }
0x69: {  	_ =	shalt  }
0x6a: {  	_ =	shalt  }
0x6b: {  	_ =	shalt  }
0x6c: {  	_ =	shalt  }
0x6d: {  	_ =	shalt  }
0x6e: {  	_ =	shalt  }
0x6f: {  	_ =	shalt  }
0x70: {  	_ =	shalt  }
0x71: {  	_ =	shalt  }
0x72: {  	_ =	shalt  }
0x73: {  	_ =	shalt  }
0x74: {  	_ =	shalt  }
0x75: {  	_ =	shalt  }
0x76: {  	_ =	shalt  }
0x77: {  	_ =	shalt  }
0x78: {  	_ =	shalt  }
0x79: {  	_ =	shalt  }
0x7a: {  	_ =	shalt  }
0x7b: {  	_ =	shalt  }
0x7c: {  	_ =	shalt  }
0x7d: {  	_ =	shalt  }
0x7e: {  	_ =	shalt  }
0x7f: {  	_ =	shalt  }
0x80: {  	_ =	shalt  }
0x81: {  	_ =	shalt  }
0x82: {  	_ =	shalt  }
0x83: {  	_ =	shalt  }
0x84: {  	_ =	shalt  }
0x85: {  	_ =	shalt  }
0x86: {  	_ =	shalt  }
0x87: {  	_ =	shalt  }
.Lfunc_end0:
.L_simem_size_0:
called_computation.2_lowered:
.L_overlay_start_0:
0x88: {  	s2 =	sld [smem:$0x3FD9]  }
0x89: {  	s3 =	sld [smem:$0x3FFE];
	_ =	sdelay $0x1  }
0x8a: {  	s1 =	srdreg.scid  }
0x8b: {  	s0 =	sand.u32 $0x1, s1  }
0x8c: {  	s14 =	sshll.u32 s0, $0xA;
	s2 =	sadd.s32 s3, s2  }
0x8d: {  	s2 =	sadd.s32 s2, s14  }
0x8e: {  	[smem:$0x3FC7] =	sst s2  }
0x8f: {  	_ = 	snop  }
0x90: {  	s2 =	sld [smem:$0x3FD0];
	_ =	sdelay $0x2  }
0x91: {  	s15 =	simm.s32 $0xB;
	s4 =	simm.s32 $0x10  }
0x92: {  	[smem:s4], [sflag:s15] =	dma.local [hbm:s2], $0x1  }
0x93: {  	_ =	swait.eq [sflag:s15], $0x1  }
0x94: {  	[sflag:s15] =	ssyncset.done $0x0  }
0x95: {  	s16 =	sld [smem:$0x10];
	[sflag:s15] =	ssyncadd.s32 $0xFFFFFFFF  }
0x96: {  	s17 =	sld [smem:$0x12];
	(tm) =	ssettm $0x1  }
0x97: {  	s18 =	sld [smem:$0x3FFB];
	_ =	sdelay $0x3  }
0x98: {  	_ =	strace s18  }
0x99: {  	s4 =	sld [smem:$0x3FFC];
	_ =	sdelay $0x3  }
0x9a: {  	_ =	strace s4  }
0x9b: {  	s4 =	sld [smem:$0x3FFD];
	_ =	sdelay $0x3  }
0x9c: {  	_ =	strace s4  }
0x9d: {  	_ =	strace $0x8FFFFFFF  }
0x9e: {  	s19 =	sld [smem:$0x3FDB];
	_ =	sdelay $0x1  }
0x9f: {  	s5 =	simm.s32 $_scs_section_size  }
0xa0: {  	s6 =	simm.s32 $_size__tile_overlayer_lowered;
	s7 =	simm.s32 $_tile_overlayer_lowered  }
0xa1: {  	s22 =	simm.s32 $0x1BFF;
	s21 =	sshll.u32 s7, $0x1;
	s4 =	sadd.s32 s5, s19  }
0xa2: {  	s8 =	simm.s32 $0x0;
	s20 =	sshll.u32 s6, $0x1;
	s6 =	sadd.s32 s21, s4  }
0xa3: {  	[timem:s8], [sflag:s22] =	dma.local [hbm:s6], s20  }
0xa4: {  	_ =	swait.ge [sflag:s22], s20  }
0xa5: {  	s5 =	ssub.s32 $0x0, s20;
	[sflag:s22] =	ssyncset.done $0x0  }
0xa6: {  	[sflag:s22] =	ssyncadd.s32 s5;
	_ =	sdelay $0x1  }
0xa7: {  	s23 =	simm.s32 $0x1B8B  }
0xa8: {  	_ =	swait.ge [sflag:s23], $0x1  }
0xa9: {  	[sflag:s23] =	ssyncset.done $0x0  }
0xaa: {  	s25 =	simm.s32 $0x1B8E;
	s24 =	sld [smem:$0x3FFE];
	[sflag:s23] =	ssyncadd.s32 $0xFFFFFFFF  }
0xab: {  	s26 =	simm.s32 $execute0_lowered;
	[smem:$0x3FD2] =	sst s25  }
0xac: {  	s6 =	sshll.u32 s26, $0x1;
	_ =	strace $0x80000049;
	[dreg:$0x1] =	wrdreg $0xFFFFFFFF  }
0xad: {  	s28 =	simm.s32 $_size_execute0_lowered;
	s4 =	sadd.s32 s4, s6;
	[dreg:$0x0] =	wrdreg $0x0  }
0xae: {  	s6 =	sshll.u32 s28, $0x1;
	[dreg:$0x2] =	wrdreg s4  }
0xaf: {  	[dreg:$0x3] =	wrdreg s6  }
0xb0: {  	[dreg:$0x4] =	wrdreg $0xC0  }
0xb1: {  	_ =	task [dreg:s8], $0x5FFFF  }
0xb2: {  	[dreg:$0x1] =	wrdreg $0xFFFFFFFF  }
0xb3: {  	[dreg:$0x0] =	wrdreg $0x60  }
0xb4: {  	[dreg:$0x2] =	wrdreg s17  }
0xb5: {  	[dreg:$0x3] =	wrdreg s24  }
0xb6: {  	[dreg:$0x4] =	wrdreg s16  }
0xb7: {  	[dreg:$0x5] =	wrdreg $0xA  }
0xb8: {  	_ =	task.clear_ibuf [dreg:s8], $0x6FFFF;
	_ =	strace $0x90000049  }
0xb9: {  	s29 =	simm.s32 $0xA;
	_ =	strace $0x8000004B  }
0xba: {  	_ =	swait.ge [sflag:s29], $0x1  }
0xbb: {  	[sflag:s29] =	ssyncadd.s32 $0xFFFFFFFF  }
0xbc: {  	_ =	strace $0x9000004B  }
0xbd: {  	_ =	sfence  }
0xbe: {  	s30 =	sld [smem:$0x0];
	_ =	sdelay $0x2  }
0xbf: {  	s31 =	sshll.u32 s1, $0xD;
	s1 =	sshrl.u32 s1, $0x2  }
0xc0: {  	s3 =	sand.u32 $0x4000, s31;
	s1 =	sadd.s32 s1, s30  }
0xc1: {  	s0 =	sor.u32 s3, s0;
	s1 =	sshll.u32 s1, $0x11  }
0xc2: {  	s0 =	sor.u32 s1, s0  }
0xc3: {  	s0 =	sadd.s32 $0x8F2B, s0  }
0xc4: {  	[sflag:s0] =	ssyncadd.remote.s32 $0x1  }
0xc5: {  	_ =	sfence.sel $0xFFFF  }
0xc6: {  	[dreg:$0x0] =	wrdreg $0xFFFFFFFF;
	(pc) =	sbr.abs _section_cstart, $3  }
0xc7: {  	[dreg:$0x1] =	wrdreg $0xFFFFFFFF  }
0xc8: {  	_ =	task.clear_ibuf [dreg:s8], $0x2FFFF;
	_ =	strace $0x9FFFFFFF  }
0xc9: {  	(tm) =	ssettm $0x7FFFFFFF  }
tec
execute0_lowered:
.L_overlay_start_1:
0x0: {  	(tag) =	ssettag $0x1  }
0x1: {  	s1 =	rddreg [dreg:$0x0]  }
0x2: {  	s6 =	rddreg [dreg:$0x1]  }
0x3: {  	s2 =	rddreg [dreg:$0x2]  }
0x4: {  	s0 =	rddreg [dreg:$0x3];
	s3 =	simm.s32 $0x0  }
0x5: {  	s4 =	srdreg.scid;
	s11 =	simm.s32 $0x1000;
	s12 =	simm.s32 $0x1  }
0x6: {  	s13 =	simm.s32 $0x1800;
	s14 =	simm.s32 $0x2000;
	s15 =	simm.s32 $0x0  }
0x7: {  	[smem:$0x7FF] =	sst s3;
	s7 =	sand.u32 $0x1, s4;
	s4 =	stileid.u32  }
0x8: {  	s5 =	sadd.s32 $0x5E000, s6;
	s6 =	sadd.s32 $0x2000, s6;
	s8 =	ssub.s32 $0x2, s7  }
0x9: {  	_ =	strace $0x8000004A;
	s10 =	sshll.u32 s4, $0x1;
	s9 =	sshrl.u32 s8, $0x1  }
0xa: {  	s7 =	sor.u32 s7, s10;
	s10 =	simm.s32 $0x800;
	s8 =	ssub.s32 s8, s9  }
0xb: {  	v0 =	vimm.s32 $0xFFFFFFFF;
	s7 =	smul.u32 $0x18000, s7;
	s9 =	simm.s32 $0x2;
	s8 =	smax.u32 s8, $0x1  }
.LBB2_1:
0xc: {  	s16 =	simm.s32 $0x0  }
.LBB2_2:
0xd: {  	s17 =	sshll.u32 s16, $0xB  }
0xe: {  	s17 =	sadd.s32 s7, s17  }
0xf: {  	s17 =	sshrl.u32 s17, $0x3  }
0x10: {  	s19 =	simm.s32 $0x0;
	s18 =	sadd.s32 s1, s17  }
0x11: {  	[tilespmem:s19], [sflag:$0x2] =	stream.linear.gather [hbm4b:s18+s19], $0x800, $0x38;
	[tilespmem:$0x2800] =	vst v63  }
0x12: {  	_ =	swait.ge [sflag:s9], $0x800  }
0x13: {  	[sflag:s9] =	ssyncset.done $0x0  }
0x14: {  	s18 =	simm.s32 $0x0;
	[sflag:s9] =	ssyncadd.s32 $0xFFFFF800  }
0x15: {  	s19 =	simm.s32 $0x40;
	v1 =	vld [tilespmem:s18+$0x0]  }
.LBB2_3:
0x16: {  	_ =	sdelay $0x1  }
0x17: {  	p0 =	sne.s32 s19, $0x1FC0  }
.Ltmp0:
0x18: {  	_ = 	snop;
	(pc) =	sbr.rel @p0 .LBB2_3-.Ltmp0, $4  }
0x19: {  	v2 =	vshra.s32 v1, $0x5;
	v3 =	vshrl.u32 v1, $0x5  }
0x1a: {  	v2 =	vand.u32 $0xFFFFFF80, v2;
	v3 =	vand.u32 $0x7F, v3  }
0x1b: {  	s20 =	sshra.s32 s19, $0x2;
	v2 =	vor.u32 v3, v2  }
0x1c: {  	s19 =	sadd.s32 $0x40, s19;
	v1 =	vld [tilespmem:s20+$0x0];
	[tilespmem:s18+$0x800] =	vst v2;
	s18 =	smov.u32 s20  }
0x1d: {  	_ =	sdelay $0x3  }
0x1e: {  	v2 =	vshra.s32 v1, $0x5;
	v1 =	vshrl.u32 v1, $0x5  }
0x1f: {  	v2 =	vand.u32 $0xFFFFFF80, v2;
	v1 =	vand.u32 $0x7F, v1  }
0x20: {  	v1 =	vor.u32 v1, v2  }
0x21: {  	[tilespmem:s18+$0x800] =	vst v1  }
0x22: {  	[tilespmem:s11], [sflag:$0x1] =	stream.indirect.gather [hbm4b:s5+s10], $0x1, s10, s10, $0xb8;
	[tilespmem:$0x2800] =	vst v63  }
0x23: {  	_ =	swait.ge [sflag:s12], $0x800  }
0x24: {  	[sflag:s12] =	ssyncset.done $0x0  }
0x25: {  	[sflag:s12] =	ssyncadd.s32 $0xFFFFF800  }
0x26: {  	[tilespmem:s13], [sflag:$0x1] =	stream.indirect.gather [hbm4b:s6+s10], $0x1, s10, s10, $0xb8;
	[tilespmem:$0x2800] =	vst v63  }
0x27: {  	_ =	swait.ge [sflag:s12], $0x800  }
0x28: {  	[sflag:s12] =	ssyncset.done $0x0  }
0x29: {  	s19 =	simm.s32 $0x0;
	[sflag:s12] =	ssyncadd.s32 $0xFFFFF800  }
0x2a: {  	v1 =	vld [tilespmem:s19+$0x0];
	_ =	sdelay $0x1  }
0x2b: {  	v2 =	vld [tilespmem:s19+$0x1000];
	_ =	sdelay $0x1  }
0x2c: {  	s18 =	simm.s32 $0x10  }
0x2d: {  	v3 =	vld [tilespmem:s18+$0x0];
	v1 =	vand.u32 $0x1F, v1  }
0x2e: {  	v1 =	vshll.u32 v0, v1  }
0x2f: {  	v1 =	vandn.u32 v2, v1;
	v2 =	vld [tilespmem:s18+$0x1000]  }
0x30: {  	v4 =	vshrl.u32 v1, $0x1  }
0x31: {  	v4 =	vand.u32 $0x15555555, v4  }
0x32: {  	v3 =	vand.u32 $0x1F, v3;
	v1 =	vsub.s32 v1, v4  }
0x33: {  	s20 =	simm.s32 $0x20;
	v3 =	vshll.u32 v0, v3;
	v4 =	vshrl.u32 v1, $0x2  }
0x34: {  	v1 =	vand.u32 $0x33333333, v1;
	v4 =	vand.u32 $0x33333333, v4;
	v5 =	vandn.u32 v2, v3;
	v2 =	vld [tilespmem:s20+$0x0]  }
0x35: {  	v1 =	vadd.s32 v1, v4  }
0x36: {  	v3 =	vld [tilespmem:s20+$0x1000];
	v4 =	vshrl.u32 v5, $0x1;
	v6 =	vshrl.u32 v1, $0x4  }
0x37: {  	v4 =	vand.u32 $0x15555555, v4;
	v6 =	vadd.s32 v1, v6;
	v1 =	vld [tilespmem:s19+$0x1800]  }
0x38: {  	s21 =	simm.s32 $0xC0;
	v4 =	vsub.s32 v5, v4;
	v5 =	vand.u32 $0xF0F0F0F, v6  }
.LBB2_5:
0x39: {  	s22 =	sshra.s32 s21, $0x2;
	p0 =	sne.s32 s21, $0x1FC0;
	s21 =	sadd.s32 $0x40, s21;
	v6 =	vand.u32 $0x1F, v2;
	v7 =	vshrl.u32 v4, $0x2;
	v5 =	vmul.u32 $0x1010101, v5  }
.Ltmp1:
0x3a: {  	v4 =	vand.u32 $0x33333333, v4;
	v2 =	vld [tilespmem:s22+$0x0];
	v6 =	vshll.u32 v0, v6;
	v7 =	vand.u32 $0x33333333, v7;
	(pc) =	sbr.rel @p0 .LBB2_5-.Ltmp1, $4  }
0x3b: {  	v6 =	vandn.u32 v3, v6;
	v4 =	vadd.s32 v4, v7;
	v5 =	vshra.s32 v5, $0x18  }
0x3c: {  	v3 =	vld [tilespmem:s22+$0x1000];
	v7 =	vshrl.u32 v6, $0x1;
	v8 =	vshrl.u32 v4, $0x4;
	v5 =	vadd.s32 v1, v5  }
0x3d: {  	v7 =	vand.u32 $0x15555555, v7;
	v8 =	vadd.s32 v4, v8;
	v1 =	vld [tilespmem:s18+$0x1800];
	[tilespmem:s19+$0x2000] =	vst v5;
	s19 =	smov.u32 s18;
	s18 =	smov.u32 s20;
	s20 =	smov.u32 s22  }
0x3e: {  	v4 =	vsub.s32 v6, v7;
	v5 =	vand.u32 $0xF0F0F0F, v8  }
0x3f: {  	v2 =	vand.u32 $0x1F, v2  }
0x40: {  	v2 =	vshll.u32 v0, v2  }
0x41: {  	v2 =	vandn.u32 v3, v2  }
0x42: {  	v3 =	vshrl.u32 v2, $0x1  }
0x43: {  	v5 =	vmul.u32 $0x1010101, v5;
	v3 =	vand.u32 $0x15555555, v3  }
0x44: {  	v6 =	vshrl.u32 v4, $0x2;
	v61 =	vand.u32 $0x33333333, v4;
	v2 =	vsub.s32 v2, v3  }
0x45: {  	v6 =	vand.u32 $0x33333333, v6;
	v5 =	vshra.s32 v5, $0x18;
	v62 =	vshrl.u32 v2, $0x2  }
0x46: {  	v3 =	vadd.s32 v61, v6;
	v2 =	vand.u32 $0x33333333, v2;
	v4 =	vand.u32 $0x33333333, v62  }
0x47: {  	v1 =	vadd.s32 v1, v5;
	v6 =	vshrl.u32 v3, $0x4;
	v2 =	vadd.s32 v2, v4  }
0x48: {  	v63 =	vld [tilespmem:s18+$0x1800];
	[tilespmem:s19+$0x2000] =	vst v1;
	v3 =	vadd.s32 v3, v6;
	v1 =	vshrl.u32 v2, $0x4  }
0x49: {  	v3 =	vand.u32 $0xF0F0F0F, v3;
	v1 =	vadd.s32 v2, v1;
	v2 =	vld [tilespmem:s20+$0x1800]  }
0x4a: {  	v3 =	vmul.u32 $0x1010101, v3;
	v1 =	vand.u32 $0xF0F0F0F, v1  }
0x4b: {  	v1 =	vmul.u32 $0x1010101, v1  }
0x4c: {  	v3 =	vshra.s32 v3, $0x18  }
0x4d: {  	s16 =	sadd.s32 $0x1, s16;
	v3 =	vadd.s32 v63, v3;
	v1 =	vshra.s32 v1, $0x18  }
0x4e: {  	p0 =	sne.s32 s16, $0x30;
	[tilespmem:s18+$0x2000] =	vst v3;
	v1 =	vadd.s32 v2, v1  }
.Ltmp2:
0x4f: {  	s17 =	sadd.s32 s2, s17;
	[tilespmem:s20+$0x2000] =	vst v1;
	(pc) =	sbr.rel @p0 .LBB2_2-.Ltmp2, $4  }
0x50: {  	[hbm4b:s17+s3] =	stream.linear.scatter [tilespmem:s14], [sflag:$0x2], $0x800, $0x38;
	[tilespmem:$0x2800] =	vst v63  }
0x51: {  	_ =	swait.ge [sflag:s9], $0x800  }
0x52: {  	[sflag:s9] =	ssyncset.done $0x0  }
0x53: {  	[sflag:s9] =	ssyncadd.s32 $0xFFFFF800  }
0x54: {  	s15 =	sadd.s32 $0x1, s15  }
0x55: {  	p0 =	sne.s32 s15, s8  }
.Ltmp3:
0x56: {  	_ = 	snop;
	(pc) =	sbr.rel @p0 .LBB2_1-.Ltmp3, $1  }
0x57: {  	_ =	sdelay $0x3  }
0x58: {  	_ =	sfence.sel $0x180000  }
0x59: {  	[bflag:$0x0] =	sbarrier.arrive $0xFFFF  }
0x5a: {  	p0 =	sne.s32 s4, $0x0;
	_ =	strace $0x9000004A  }
0x5b: {  	s0 =	sadd.s32 @!p0 $0x100000, s0;
	[bflag:$0x2] =	sbarrier.arrive $0xFFFF  }
0x5c: {  	[sflag:s0] =	ssyncadd.tile.s32 @!p0 $0x1;
	_ =	shalt  }
.Lfunc_end2:
_tile_overlayer_lowered:
.L_overlay_start_2:
0x5d: {  	(tag) =	ssettag $0x2  }
0x5e: {  	s0 =	rddreg [dreg:$0x0];
	s2 =	stileid.u32  }
0x5f: {  	s1 =	rddreg [dreg:$0x1];
	p0 =	sne.s32 s2, $0x0  }
0x60: {  	s3 =	rddreg [dreg:$0x2];
	[bflag:$0x3] =	sbarrier.arrive $0xFFFF;
	s2 =	simm.s32 @!p0 $0x1C02  }
0x61: {  	[timem:s3], [sflag:s2] =	dma.local @!p0 [hbm:s0], s1  }
0x62: {  	s0 =	simm.s32 @!p0 $0x2  }
0x63: {  	_ =	swait.ge @!p0 [sflag:s0], s1  }
0x64: {  	s1 =	ssub.s32 @!p0 $0x0, s1;
	[sflag:s0] =	ssyncset.done @!p0 $0x0  }
0x65: {  	[sflag:s0] =	ssyncadd.s32 @!p0 s1  }
0x66: {  	[bflag:$0x3] =	sbarrier.arrive $0xFFFF  }
0x67: {  	_ =	shalt  }

// kernel: sparse-core-data-format-call.cloned.1.call-start
scs
called_computation_lowered:
.L_overlay_start_0:
0x0: {  	s2 =	sld [smem:$0x3FD9]  }
0x1: {  	s3 =	sld [smem:$0x3FFE];
	_ =	sdelay $0x1  }
0x2: {  	s1 =	srdreg.scid  }
0x3: {  	s0 =	sand.u32 $0x1, s1  }
0x4: {  	s16 =	sshll.u32 s0, $0xA;
	s2 =	sadd.s32 s3, s2  }
0x5: {  	s2 =	sadd.s32 s2, s16  }
0x6: {  	[smem:$0x3FC7] =	sst s2  }
0x7: {  	_ = 	snop  }
0x8: {  	s2 =	sld [smem:$0x3FD0];
	_ =	sdelay $0x2  }
0x9: {  	s17 =	simm.s32 $0xB;
	s4 =	simm.s32 $0x10  }
0xa: {  	[smem:s4], [sflag:s17] =	dma.local [hbm:s2], $0x1  }
0xb: {  	_ =	swait.eq [sflag:s17], $0x1  }
0xc: {  	[sflag:s17] =	ssyncset.done $0x0  }
0xd: {  	[sflag:s17] =	ssyncadd.s32 $0xFFFFFFFF  }
0xe: {  	s18 =	sld [smem:$0x11];
	(tm) =	ssettm $0x1  }
0xf: {  	s19 =	sld [smem:$0x3FFB];
	_ =	sdelay $0x3  }
0x10: {  	_ =	strace s19  }
0x11: {  	s2 =	sld [smem:$0x3FFC];
	_ =	sdelay $0x3  }
0x12: {  	_ =	strace s2  }
0x13: {  	s2 =	sld [smem:$0x3FFD];
	_ =	sdelay $0x3  }
0x14: {  	_ =	strace s2  }
0x15: {  	_ =	strace $0x8FFFFFFF  }
0x16: {  	s20 =	sld [smem:$0x3FDB];
	_ =	sdelay $0x1  }
0x17: {  	s21 =	simm.s32 $_scs_section_size  }
0x18: {  	s5 =	simm.s32 $_size__tile_overlayer_lowered;
	s6 =	simm.s32 $_tile_overlayer_lowered  }
0x19: {  	s7 =	simm.s32 $0x1BFF;
	s22 =	sshll.u32 s6, $0x1;
	s4 =	sadd.s32 s21, s20  }
0x1a: {  	s23 =	simm.s32 $0x0;
	s5 =	sshll.u32 s5, $0x1;
	s6 =	sadd.s32 s22, s4  }
0x1b: {  	[timem:s23], [sflag:s7] =	dma.local [hbm:s6], s5  }
0x1c: {  	_ =	swait.ge [sflag:s7], s5  }
0x1d: {  	s5 =	ssub.s32 $0x0, s5;
	[sflag:s7] =	ssyncset.done $0x0  }
0x1e: {  	[sflag:s7] =	ssyncadd.s32 s5;
	_ =	sdelay $0x1  }
0x1f: {  	s24 =	simm.s32 $0x1B8B  }
0x20: {  	_ =	swait.ge [sflag:s24], $0x1  }
0x21: {  	[sflag:s24] =	ssyncset.done $0x0  }
0x22: {  	[sflag:s24] =	ssyncadd.s32 $0xFFFFFFFF  }
0x23: {  	s5 =	sld [smem:$0x0]  }
0x24: {  	s6 =	sand.u32 $0xFFFFFFFE, s1  }
0x25: {  	p0 =	sne.s32 s1, s6  }
0x26: {  	s6 =	sshll.u32 @p0 s6, $0xE  }
0x27: {  	s6 =	sadd.s32 @p0 $0x11B8D, s6;
	s7 =	sshll.u32 @p0 s5, $0x11  }
0x28: {  	s6 =	sor.u32 @p0 s7, s6  }
0x29: {  	[sflag:s6] =	ssyncadd.remote.s32 @p0 $0x1;
	_ =	sdelay $0x1  }
0x2a: {  	s6 =	simm.s32 @p0 $0x1B8D  }
0x2b: {  	_ =	swait.eq @p0 [sflag:s6], $0x1  }
0x2c: {  	[sflag:s6] =	ssyncadd.s32 @p0 $0xFFFFFFFF  }
0x2d: {  	s7 =	sshll.u32 @!p0 s1, $0xE  }
0x2e: {  	s7 =	sor.u32 @!p0 $0x4000, s7;
	s6 =	simm.s32 @!p0 $0x1B8D  }
0x2f: {  	s5 =	sshll.u32 @!p0 s5, $0x11;
	s7 =	sadd.s32 @!p0 $0x11B8D, s7;
	_ =	swait.eq @!p0 [sflag:s6], $0x1  }
0x30: {  	s5 =	sor.u32 @!p0 s5, s7;
	[sflag:s6] =	ssyncadd.s32 @!p0 $0xFFFFFFFF  }
0x31: {  	s26 =	simm.s32 $0x1B8E;
	s25 =	sld [smem:$0x3FFE];
	[sflag:s5] =	ssyncadd.remote.s32 @!p0 $0x1  }
0x32: {  	s27 =	simm.s32 $execute0_lowered;
	[smem:$0x3FD2] =	sst s26  }
0x33: {  	s6 =	sshll.u32 s27, $0x1;
	_ =	strace $0x8000004C;
	[dreg:$0x1] =	wrdreg $0xFFFFFFFF  }
0x34: {  	s28 =	simm.s32 $_size_execute0_lowered;
	s4 =	sadd.s32 s4, s6;
	[dreg:$0x0] =	wrdreg $0x0  }
0x35: {  	s6 =	sshll.u32 s28, $0x1;
	[dreg:$0x2] =	wrdreg s4  }
0x36: {  	[dreg:$0x3] =	wrdreg s6  }
0x37: {  	[dreg:$0x4] =	wrdreg $0xC0  }
0x38: {  	_ =	task [dreg:s23], $0x5FFFF  }
0x39: {  	[dreg:$0x1] =	wrdreg $0xFFFFFFFF  }
0x3a: {  	[dreg:$0x0] =	wrdreg $0x60  }
0x3b: {  	[dreg:$0x2] =	wrdreg s25  }
0x3c: {  	[dreg:$0x3] =	wrdreg s18  }
0x3d: {  	[dreg:$0x4] =	wrdreg $0x9  }
0x3e: {  	_ =	task.clear_ibuf [dreg:s23], $0x5FFFF;
	_ =	strace $0x9000004C  }
0x3f: {  	s29 =	simm.s32 $0x9;
	_ =	strace $0x8000004E  }
0x40: {  	_ =	swait.ge [sflag:s29], $0x1  }
0x41: {  	[sflag:s29] =	ssyncadd.s32 $0xFFFFFFFF  }
0x42: {  	_ =	strace $0x9000004E  }
0x43: {  	_ =	sfence  }
0x44: {  	s30 =	sld [smem:$0x0];
	_ =	sdelay $0x2  }
0x45: {  	s31 =	sshll.u32 s1, $0xD;
	s1 =	sshrl.u32 s1, $0x2  }
0x46: {  	s4 =	sand.u32 $0x4000, s31;
	s1 =	sadd.s32 s1, s30  }
0x47: {  	s0 =	sor.u32 s4, s0;
	s1 =	sshll.u32 s1, $0x11  }
0x48: {  	s0 =	sor.u32 s1, s0  }
0x49: {  	s0 =	sadd.s32 $0x8F2B, s0  }
0x4a: {  	[sflag:s0] =	ssyncadd.remote.s32 $0x1  }
0x4b: {  	_ =	sfence.sel $0xFFFF  }
0x4c: {  	[dreg:$0x0] =	wrdreg $0xFFFFFFFF;
	(pc) =	sbr.abs _section_cstart, $3  }
0x4d: {  	[dreg:$0x1] =	wrdreg $0xFFFFFFFF  }
0x4e: {  	_ =	task.clear_ibuf [dreg:s23], $0x2FFFF;
	_ =	strace $0x9FFFFFFF  }
0x4f: {  	(tm) =	ssettm $0x7FFFFFFF  }
tec
execute0_lowered:
.L_overlay_start_1:
0x0: {  	(tag) =	ssettag $0x1  }
0x1: {  	s4 =	rddreg [dreg:$0x0]  }
0x2: {  	s0 =	srdreg.scid;
	s2 =	rddreg [dreg:$0x1]  }
0x3: {  	s1 =	stileid.u32;
	s5 =	simm.s32 $0x1;
	s0 =	sshll.u32 s0, $0x4  }
0x4: {  	s7 =	simm.s32 $0x2;
	s12 =	simm.s32 $0x0;
	s3 =	sand.u32 $0x10, s0  }
.Ltmp0:
0x5: {  	s8 =	simm.s32 $0xBD3600;
	s3 =	sor.u32 s1, s3;
	(pc) =	sbr.rel .LBB1_1-.Ltmp0, $4  }
0x6: {  	s10 =	simm.s32 $0x0;
	s11 =	simm.s32 $0x0;
	s3 =	sshll.u32 s3, $0x7  }
0x7: {  	s0 =	rddreg [dreg:$0x2];
	_ =	strace $0x8000004D;
	s6 =	ssub.s32 $0x2F4D00, s3  }
0x8: {  	s4 =	sadd.s32 $0x30F600, s4;
	[sflag:s5] =	ssyncpa.u1 $0x0;
	s6 =	sshrl.u32 s6, $0xC  }
0x9: {  	[sflag:s7] =	ssyncpa.u1 $0x0;
	s9 =	smov.u32 s3;
	s7 =	sadd.s32 $0x2, s6  }
.LBB1_5:
0xa: {  	[tilespmem:s18+$0x0 ss:$0x81] =	vst.msk $0xffff, v1  }
.LBB1_6:
0xb: {  	s15 =	sshll.u32 s10, $0x2  }
0xc: {  	s15 =	sand.u32 $0xFFFFFE00, s15  }
0xd: {  	s16 =	sshrl.u32 s15, $0x7  }
0xe: {  	p0 =	sgt.s32 s10, $0x2F4D00;
	s17 =	smov.u32 s10;
	s16 =	smulhi.u32 $0x15A5D61, s16  }
0xf: {  	s17 =	simm.s32 @!p0 $0x2F4D00  }
0x10: {  	s18 =	sand.u32 $0x7F, s10;
	s13 =	sadd.s32 s13, s17;
	s16 =	sshrl.u32 s16, $0x7  }
0x11: {  	s13 =	sadd.s32 $0xFFD0B300, s13;
	s28 =	smul.u32 $0x2F4D80, s16  }
0x12: {  	s15 =	sor.u32 s18, s15;
	s29 =	sshll.u32 s13, $0x4;
	p0 =	sgt.s32 s13, $0x7F  }
0x13: {  	s30 =	ssub.s32 $0x800, s29;
	s16 =	sand.u32 $0x3, s16;
	s15 =	ssub.s32 s15, s28  }
0x14: {  	s16 =	smul.u32 $0x5E9B0, s16;
	s31 =	sshrl.u32 s15, $0x3;
	s15 =	sand.u32 $0x7, s15  }
0x15: {  	s13 =	sshrl.u32 s30, $0x2;
	s17 =	sadd.s32 s2, s31;
	s15 =	sshll.u32 s15, $0x12  }
0x16: {  	s13 =	simm.s32 @p0 $0x0;
	s16 =	sadd.s32 s16, s17;
	s15 =	sor.u32 $0x200, s15  }
0x17: {  	[hbm4b:s16+s15] =	stream.strided.scatter [tilespmem:s14], [sflag:$0x2], s13, s8, s15, $0x20;
	[tilespmem:$0x4040] =	vst v63  }
.LBB1_7:
0x18: {  	p0 =	slt.u32 s11, $0x2  }
0x19: {  	p1 =	sgt.s32 @!p0 s12, $0x2F4D00  }
0x1a: {  	s13 =	smov.u32 s12;
	s14 =	sshra.s32 @!p0 s12, $0x1F;
	p1 =	por !p1, p0  }
0x1b: {  	s12 =	sand.u32 @!p0 s14, s12;
	s13 =	simm.s32 @p1 $0x2F4D00  }
0x1c: {  	s12 =	ssub.s32 @!p0 s13, s12  }
0x1d: {  	s12 =	sadd.s32 @!p0 $0xFFD0B300, s12  }
0x1e: {  	s13 =	sshll.u32 @!p0 s12, $0x4  }
0x1f: {  	p1 =	sgt.s32 @!p0 s12, $0x7F;
	s12 =	ssub.s32 @!p0 $0x800, s13  }
0x20: {  	s14 =	sadd.s32 $0x1000, s9;
	p1 =	por !p1, p0;
	s12 =	sshrl.u32 @!p0 s12, $0x2  }
0x21: {  	s12 =	simm.s32 @!p1 $0x0;
	p1 =	sgt.s32 s14, $0x2F4D5F  }
0x22: {  	s14 =	smov.u32 @p1 s3;
	p1 =	sne.s32 s11, s7  }
.Ltmp1:
0x23: {  	_ = 	snop;
	(pc) =	sbr.rel @!p1 .LBB1_8-.Ltmp1, $4  }
0x24: {  	s13 =	simm.s32 @!p0 $0x2  }
0x25: {  	_ =	swait.ge @!p0 [sflag:s13], s12;
	s15 =	ssub.s32 @!p0 $0x0, s12  }
0x26: {  	s12 =	smov.u32 s10;
	s11 =	sadd.s32 $0x1, s11;
	[sflag:s13] =	ssyncset.done @!p0 $0x0  }
0x27: {  	s10 =	smov.u32 s9;
	s9 =	smov.u32 s14;
	[sflag:s13] =	ssyncadd.s32 @!p0 s15  }
.LBB1_1:
0x28: {  	p0 =	sgt.u32 s11, s6  }
0x29: {  	s14 =	smov.u32 s9;
	p1 =	sgt.s32 @!p0 s9, $0x2F4CE0  }
0x2a: {  	s13 =	sand.u32 @!p0 $0x1FFFFFF, s9;
	s15 =	sshra.s32 @!p0 s9, $0x1F;
	p1 =	por !p1, p0  }
0x2b: {  	s16 =	smulhi.u32 @!p0 $0x15A5E4B, s13;
	s15 =	sand.u32 @!p0 s15, s9;
	s14 =	simm.s32 @p1 $0x2F4CE0  }
0x2c: {  	s14 =	ssub.s32 @!p0 s14, s15  }
0x2d: {  	s15 =	sshrl.u32 @!p0 s16, $0xE;
	s14 =	sadd.s32 @!p0 $0xFFD0B320, s14  }
0x2e: {  	s16 =	sxor.u32 @!p0 $0xFFFFFFFF, s11;
	s15 =	smul.u32 @!p0 $0x2F4D60, s15;
	s17 =	sshll.u32 @!p0 s14, $0x7  }
0x2f: {  	s16 =	sshll.u32 @!p0 s16, $0xC;
	p1 =	sgt.s32 @!p0 s14, $0x7F;
	s14 =	ssub.s32 @!p0 $0x4000, s17  }
0x30: {  	s13 =	ssub.s32 @!p0 s13, s15;
	p1 =	por !p1, p0;
	s15 =	sand.u32 @!p0 $0x1000, s16  }
0x31: {  	s16 =	simm.s32 @!p0 $0x20;
	s14 =	sshrl.u32 @!p0 s14, $0x2;
	s13 =	sshll.u32 @!p0 s13, $0x4  }
0x32: {  	s17 =	simm.s32 @!p0 $0x80;
	s14 =	simm.s32 @!p1 $0x0;
	s13 =	sadd.s32 @!p0 s4, s13  }
0x33: {  	[tilespmem:s15], [sflag:$0x1] =	stream.strided.gather @!p0 [hbm4b:s13+s16], s14, s17, s16, $0x38;
	[tilespmem:$0x4040] =	vst v63  }
0x34: {  	p0 =	seq.s32 s11, $0x0  }
0x35: {  	p1 =	sge.u32 @!p0 s11, s7  }
0x36: {  	p0 =	por p0, p1  }
.Ltmp2:
0x37: {  	_ = 	snop;
	(pc) =	sbr.rel @p0 .LBB1_7-.Ltmp2, $1  }
0x38: {  	_ =	sdelay $0x3  }
0x39: {  	s13 =	ssub.s32 $0x0, s10  }
0x3a: {  	s14 =	sshra.s32 s10, $0x1F;
	p0 =	sgt.s32 s10, $0x2F4CE0;
	s15 =	smov.u32 s10  }
0x3b: {  	s13 =	sand.u32 s13, s14;
	s15 =	simm.s32 @!p0 $0x2F4CE0  }
0x3c: {  	s14 =	sadd.s32 s13, s15  }
0x3d: {  	s17 =	sadd.s32 $0x80, s10;
	s14 =	sadd.s32 $0xFFD0B320, s14  }
0x3e: {  	p1 =	slt.s32 s17, $0x2F4D60;
	s31 =	sshll.u32 s14, $0x7  }
0x3f: {  	s17 =	simm.s32 @!p1 $0x2F4D60;
	s15 =	ssub.s32 $0x4000, s31  }
0x40: {  	p0 =	sgt.s32 s14, $0x7F;
	s14 =	sshrl.u32 s15, $0x2;
	s15 =	ssub.s32 s17, s10  }
0x41: {  	s14 =	simm.s32 @p0 $0x0;
	p0 =	slt.s32 s15, $0x1  }
.Ltmp3:
0x42: {  	_ = 	snop;
	(pc) =	sbr.rel @p0 .LBB1_6-.Ltmp3, $4  }
0x43: {  	s16 =	sand.u32 $0x1, s11  }
0x44: {  	s18 =	smul.u32 $0x1020, s16;
	_ =	swait.ge [sflag:s5], s14  }
0x45: {  	s14 =	ssub.s32 $0x0, s14;
	[sflag:s5] =	ssyncset.done $0x0  }
0x46: {  	[sflag:s5] =	ssyncadd.s32 s14;
	s14 =	sor.u32 $0x2000, s18  }
0x47: {  	s16 =	sshll.u32 s16, $0xC  }
0x48: {  	v0 =	vmov s16;
	_ =	sdelay $0x1  }
0x49: {  	s17 =	simm.s32 $0x0  }
0x4a: {  	s31 =	simm.s32 $0x0;
	s30 =	sand.u32 $0x1C, s17  }
0x4b: {  	p0 =	sne.s32 s15, $0x1;
	s18 =	sand.u32 $0xFE0, s31;
	s16 =	smul.u32 $0x204, s30  }
.Ltmp4:
0x4c: {  	v1 =	vld.idx.msk [tilespmem:v0+s18+$0x0 ss:$0x1], $0xffff;
	(pc) =	sbr.rel @!p0 .LBB1_5-.Ltmp4, $4  }
0x4d: {  	_ = 	snop  }
0x4e: {  	s16 =	sshrl.u32 s16, $0x2  }
0x4f: {  	s17 =	sand.u32 $0x7F, s31;
	s19 =	sadd.s32 s16, s14  }
0x50: {  	s16 =	simm.s32 $0x1;
	s18 =	sadd.s32 s17, s19;
	s17 =	simm.s32 $0x20  }
.LBB1_4:
0x51: {  	s19 =	sand.u32 $0xFE0, s17  }
0x52: {  	s20 =	sshrl.u32 s16, $0x5;
	[tilespmem:s18+$0x0 ss:$0x81] =	vst.msk $0xffff, v1;
	s18 =	smov.u32 s16;
	s16 =	sadd.s32 $0x1, s16  }
0x53: {  	v1 =	vld.idx.msk [tilespmem:v0+s19+$0x0 ss:$0x1], $0xffff;
	s19 =	sand.u32 $0x1C, s20  }
0x54: {  	p0 =	sne.s32 s15, s16;
	s19 =	smul.u32 $0x204, s19  }
.Ltmp5:
0x55: {  	(pc) =	sbr.rel @p0 .LBB1_4-.Ltmp5, $4  }
0x56: {  	_ = 	snop  }
0x57: {  	s19 =	sshrl.u32 s19, $0x2  }
0x58: {  	s18 =	sand.u32 $0x7F, s18;
	s19 =	sadd.s32 s19, s14  }
0x59: {  	s17 =	sadd.s32 $0x20, s17;
	s18 =	sadd.s32 s18, s19  }
.Ltmp6:
0x5a: {  	_ = 	snop;
	(pc) =	sbr.rel .LBB1_5-.Ltmp6, $1  }
0x5b: {  	_ =	sdelay $0x3  }
.LBB1_8:
0x5c: {  	_ =	sfence.sel $0x180000  }
0x5d: {  	s2 =	simm.s32 $0x1;
	[bflag:$0x0] =	sbarrier.arrive $0xFFFF  }
0x5e: {  	s31 =	simm.s32 $0x2;
	[sflag:s2] =	ssyncpa.u1 $0x1  }
0x5f: {  	[sflag:s31] =	ssyncpa.u1 $0x1  }
0x60: {  	p0 =	sne.s32 s1, $0x0;
	_ =	strace $0x9000004D  }
0x61: {  	s0 =	sadd.s32 @!p0 $0x100000, s0;
	[bflag:$0x2] =	sbarrier.arrive $0xFFFF  }
0x62: {  	[sflag:s0] =	ssyncadd.tile.s32 @!p0 $0x1;
	_ =	shalt  }
.Lfunc_end1:
_tile_overlayer_lowered:
.L_overlay_start_2:
0x63: {  	(tag) =	ssettag $0x2  }
0x64: {  	s0 =	rddreg [dreg:$0x0];
	s2 =	stileid.u32  }
0x65: {  	s1 =	rddreg [dreg:$0x1];
	p0 =	sne.s32 s2, $0x0  }
0x66: {  	s3 =	rddreg [dreg:$0x2];
	[bflag:$0x3] =	sbarrier.arrive $0xFFFF;
	s2 =	simm.s32 @!p0 $0x1C01  }
0x67: {  	[timem:s3], [sflag:s2] =	dma.local @!p0 [hbm:s0], s1  }
0x68: {  	s0 =	simm.s32 @!p0 $0x1  }
0x69: {  	_ =	swait.ge @!p0 [sflag:s0], s1  }
0x6a: {  	s1 =	ssub.s32 @!p0 $0x0, s1;
	[sflag:s0] =	ssyncset.done @!p0 $0x0  }
0x6b: {  	[sflag:s0] =	ssyncadd.s32 @!p0 s1  }
0x6c: {  	[bflag:$0x3] =	sbarrier.arrive $0xFFFF  }
0x6d: {  	_ =	shalt  }

</sc_bundles>
